<compile_context>
chip_gen: v7x
topology: tpu7x:2x2x1
jax: 0.10.2.dev20260603
libtpu: 0.0.44.dev20260713+nightly
codegen_flags: <defaults>
</compile_context>

<pallas_src>
import jax
import jax.numpy as jnp
from jax import lax
from jax.experimental import pallas as pl
from jax.experimental.pallas import tpu as pltpu
from jax.experimental.pallas import tpu_sc as plsc

HID = 64
N = 2048
KCLIP = 64
NW = 32
TB = 4096
CPW = TB // NW


def _band_body(emb, a_out, tbl, stage, csem, wsem):
    c = lax.axis_index("c")
    s = lax.axis_index("s")
    wid = s * 2 + c
    t0 = wid * CPW
    cp = pltpu.make_async_copy(emb, tbl, csem)
    cp.start()
    cp.wait()

    def row(w, carry):
        idx = jnp.clip(t0 + w - (N - 1 - KCLIP), 0, 2 * KCLIP)
        for cc in range(HID // 16):
            stage[pl.ds(w * HID + cc * 16, 16)] = tbl[idx, pl.ds(cc * 16, 16)]
        return carry

    lax.fori_loop(0, CPW, row, 0)
    cp = pltpu.make_async_copy(stage, a_out.at[pl.ds(t0 * HID, CPW * HID)], wsem)
    cp.start()
    cp.wait()


def _mat_body(a_ref, o_hbm, rolled, sem):
    c = pl.program_id(0)
    par = c % 2

    def waits(p):
        for _ in range(16):
            pltpu.make_async_copy(
                rolled.at[0, :, pl.ds(0, N)], o_hbm.at[0], sem.at[p]
            ).wait()

    @pl.when(c >= 2)
    def _():
        waits(par)

    x = a_ref[...]
    y = pltpu.roll(x, TB - c, axis=1)
    rolled[par] = y
    for k in range(16):
        i_k = 127 - c + 128 * k
        s2 = 128 * (15 - k)
        pltpu.make_async_copy(
            rolled.at[par, :, pl.ds(s2, N)], o_hbm.at[i_k], sem.at[par]
        ).start()

    @pl.when(c == 127)
    def _():
        waits(0)
        waits(1)


def kernel(embeddings, q_len, k_len):
    band = pl.kernel(
        _band_body,
        out_type=jax.ShapeDtypeStruct((TB * HID,), jnp.float32),
        mesh=plsc.VectorSubcoreMesh(core_axis_name="c", subcore_axis_name="s"),
        compiler_params=pltpu.CompilerParams(use_tc_tiling_on_sc=False),
        scratch_types=[
            pltpu.VMEM((2 * KCLIP + 1, HID), jnp.float32),
            pltpu.VMEM((CPW * HID,), jnp.float32),
            pltpu.SemaphoreType.DMA,
            pltpu.SemaphoreType.DMA,
        ],
    )
    a = band(embeddings)
    a_t = jnp.transpose(jnp.reshape(a, (TB, HID)))
    out_t = pl.pallas_call(
        _mat_body,
        grid=(128,),
        in_specs=[pl.BlockSpec((HID, TB), lambda i: (0, 0))],
        out_specs=pl.BlockSpec(memory_space=pltpu.HBM),
        out_shape=jax.ShapeDtypeStruct((N, HID, N), jnp.float32),
        scratch_shapes=[
            pltpu.VMEM((2, HID, TB), jnp.float32),
            pltpu.SemaphoreType.DMA((2,)),
        ],
    )(a_t)
    return jnp.transpose(out_t, (0, 2, 1))

# --- scband reference (transcript-rebuilt; emitter-appended) ---
"""Pipeline reference for scband-relative-position-2662879723906 (READ-ONLY COPY).

The authoritative reference and input builder live on the scoring server;
editing this copy changes nothing except your own understanding.
"""

import jax, jax.numpy as jnp
import numpy as np

HID_DIM = 64
K = 64
Q_LEN = 2048
K_LEN = 2048

def setup_inputs(seed: int = 0) -> dict:
    key = jax.random.key(seed)
    # xavier_uniform init for embeddings of shape (2*K+1, HID_DIM)
    limit = float(np.sqrt(6.0 / ((2 * K + 1) + HID_DIM)))
    embeddings = jax.random.uniform(key, (2 * K + 1, HID_DIM), minval=-limit, maxval=limit, dtype=jnp.float32)
    return {"embeddings": embeddings, "q_len": 2048, "k_len": 2048}

def reference(embeddings, q_len, k_len):
    # r_pos[i, j] = j - i
    r_pos = jnp.arange(K_LEN)[None, :] - jnp.arange(Q_LEN)[:, None]
    zero = (q_len - Q_LEN) + (k_len - K_LEN)
    r_pos_clip = jnp.clip(r_pos, -K, K) + K + zero  # int indices in [0, 2K]
    out = jnp.take(embeddings, r_pos_clip, axis=0)  # [q_len, k_len, HID_DIM]
    return out

if __name__ == "__main__":
    import jax
    _d = setup_inputs()
    print(jax.jit(kernel)(*tuple(_d.values())))

</pallas_src>

<mosaic_0001>
#map = affine_map<(d0, d1) -> (0, 0)>
#map1 = affine_map<(d0, d1) -> (0)>
module attributes {stable_mosaic.version = 14 : i64} {
  func.func @_band_body(%arg0: i32, %arg1: i32, %arg2: memref<129x64xf32, #tpu.memory_space<hbm>>, %arg3: memref<262144xf32, #tpu.memory_space<hbm>>, %arg4: memref<129x64xf32, #tpu.memory_space<vmem>>, %arg5: memref<8192xf32, #tpu.memory_space<vmem>>, %arg6: memref<!tpu.dma_semaphore, #tpu.memory_space<semaphore_mem>>, %arg7: memref<!tpu.dma_semaphore, #tpu.memory_space<semaphore_mem>>) attributes {dimension_semantics = [#tpu.dimension_semantics<core_parallel>, #tpu.dimension_semantics<subcore_parallel>], iteration_bounds = array<i64: 2, 16>, scalar_prefetch = 0 : i64, scratch_operands = 4 : i64, tpu.core_type = #tpu.core_type<sc_vector_subcore>, window_params = [{transform_indices = #map}, {transform_indices = #map1}]} {
    %mul3A = arith.constant 2 : i32
    %mul3A_0 = arith.muli %arg1, %mul3A : i32
    %add3A = arith.addi %mul3A_0, %arg0 : i32
    %mul3A_1 = arith.constant 128 : i32
    %mul3A_2 = arith.muli %add3A, %mul3A_1 : i32
    tpu.enqueue_dma source(%arg2 : memref<129x64xf32, #tpu.memory_space<hbm>>) target(%arg4 : memref<129x64xf32, #tpu.memory_space<vmem>>) target_semaphore(%arg6 : memref<!tpu.dma_semaphore, #tpu.memory_space<semaphore_mem>>)
    tpu.wait_dma2 semaphore(%arg6 : memref<!tpu.dma_semaphore, #tpu.memory_space<semaphore_mem>>) src(%arg2 : memref<129x64xf32, #tpu.memory_space<hbm>>) dst(%arg4 : memref<129x64xf32, #tpu.memory_space<vmem>>)
    %scan3A = arith.constant 0 : i32
    %scan3A_3 = arith.constant 0 : i32
    %scan3A_4 = arith.constant 128 : i32
    %scan3A_5 = arith.addi %scan3A_3, %scan3A_4 : i32
    %scan3A_6 = arith.constant 1 : i32
    scf.for %scan3A_12 = %scan3A_3 to %scan3A_5 step %scan3A_6  : i32 {
      %add3A_13 = arith.addi %mul3A_2, %scan3A_12 : i32
      %sub3A = arith.constant 1983 : i32
      %sub3A_14 = arith.subi %add3A_13, %sub3A : i32
      %jit3A = arith.constant 0 : i32
      %jit3A_15 = arith.constant 128 : i32
      %max3A = arith.maxsi %jit3A, %sub3A_14 : i32
      %min3A = arith.minsi %jit3A_15, %max3A : i32
      %get3A = arith.index_cast %min3A : i32 to index
      %get3A_16 = arith.constant 0 : index
      %get3A_17 = tpu.vector_load %arg4[%get3A, %get3A_16] {strides = array<i32>} : memref<129x64xf32, #tpu.memory_space<vmem>>, vector<1x16xf32>,
      %get3A_18 = vector.shape_cast %get3A_17 : vector<1x16xf32> to vector<16xf32>
      %mul3A_19 = arith.constant 64 : i32
      %mul3A_20 = arith.muli %scan3A_12, %mul3A_19 : i32
      %add3A_21 = arith.constant 0 : i32
      %add3A_22 = arith.addi %mul3A_20, %add3A_21 : i32
      %swap3A = arith.index_cast %add3A_22 : i32 to index
      %swap3A_23 = tpu.vector_load %arg5[%swap3A] {strides = array<i32>} : memref<8192xf32, #tpu.memory_space<vmem>>, vector<16xf32>,
      %swap3A_24 = vector.shape_cast %swap3A_23 : vector<16xf32> to vector<16xf32>
      %swap3A_25 = vector.shape_cast %get3A_18 : vector<16xf32> to vector<16xf32>
      tpu.vector_store %arg5[%swap3A], %swap3A_25 {strides = array<i32>} : memref<8192xf32, #tpu.memory_space<vmem>>, vector<16xf32>,
      %get3A_26 = arith.index_cast %min3A : i32 to index
      %get3A_27 = arith.constant 16 : index
      %get3A_28 = tpu.vector_load %arg4[%get3A_26, %get3A_27] {strides = array<i32>} : memref<129x64xf32, #tpu.memory_space<vmem>>, vector<1x16xf32>,
      %get3A_29 = vector.shape_cast %get3A_28 : vector<1x16xf32> to vector<16xf32>
      %mul3A_30 = arith.constant 64 : i32
      %mul3A_31 = arith.muli %scan3A_12, %mul3A_30 : i32
      %add3A_32 = arith.constant 16 : i32
      %add3A_33 = arith.addi %mul3A_31, %add3A_32 : i32
      %swap3A_34 = arith.index_cast %add3A_33 : i32 to index
      %swap3A_35 = tpu.vector_load %arg5[%swap3A_34] {strides = array<i32>} : memref<8192xf32, #tpu.memory_space<vmem>>, vector<16xf32>,
      %swap3A_36 = vector.shape_cast %swap3A_35 : vector<16xf32> to vector<16xf32>
      %swap3A_37 = vector.shape_cast %get3A_29 : vector<16xf32> to vector<16xf32>
      tpu.vector_store %arg5[%swap3A_34], %swap3A_37 {strides = array<i32>} : memref<8192xf32, #tpu.memory_space<vmem>>, vector<16xf32>,
      %get3A_38 = arith.index_cast %min3A : i32 to index
      %get3A_39 = arith.constant 32 : index
      %get3A_40 = tpu.vector_load %arg4[%get3A_38, %get3A_39] {strides = array<i32>} : memref<129x64xf32, #tpu.memory_space<vmem>>, vector<1x16xf32>,
      %get3A_41 = vector.shape_cast %get3A_40 : vector<1x16xf32> to vector<16xf32>
      %mul3A_42 = arith.constant 64 : i32
      %mul3A_43 = arith.muli %scan3A_12, %mul3A_42 : i32
      %add3A_44 = arith.constant 32 : i32
      %add3A_45 = arith.addi %mul3A_43, %add3A_44 : i32
      %swap3A_46 = arith.index_cast %add3A_45 : i32 to index
      %swap3A_47 = tpu.vector_load %arg5[%swap3A_46] {strides = array<i32>} : memref<8192xf32, #tpu.memory_space<vmem>>, vector<16xf32>,
      %swap3A_48 = vector.shape_cast %swap3A_47 : vector<16xf32> to vector<16xf32>
      %swap3A_49 = vector.shape_cast %get3A_41 : vector<16xf32> to vector<16xf32>
      tpu.vector_store %arg5[%swap3A_46], %swap3A_49 {strides = array<i32>} : memref<8192xf32, #tpu.memory_space<vmem>>, vector<16xf32>,
      %get3A_50 = arith.index_cast %min3A : i32 to index
      %get3A_51 = arith.constant 48 : index
      %get3A_52 = tpu.vector_load %arg4[%get3A_50, %get3A_51] {strides = array<i32>} : memref<129x64xf32, #tpu.memory_space<vmem>>, vector<1x16xf32>,
      %get3A_53 = vector.shape_cast %get3A_52 : vector<1x16xf32> to vector<16xf32>
      %mul3A_54 = arith.constant 64 : i32
      %mul3A_55 = arith.muli %scan3A_12, %mul3A_54 : i32
      %add3A_56 = arith.constant 48 : i32
      %add3A_57 = arith.addi %mul3A_55, %add3A_56 : i32
      %swap3A_58 = arith.index_cast %add3A_57 : i32 to index
      %swap3A_59 = tpu.vector_load %arg5[%swap3A_58] {strides = array<i32>} : memref<8192xf32, #tpu.memory_space<vmem>>, vector<16xf32>,
      %swap3A_60 = vector.shape_cast %swap3A_59 : vector<16xf32> to vector<16xf32>
      %swap3A_61 = vector.shape_cast %get3A_53 : vector<16xf32> to vector<16xf32>
      tpu.vector_store %arg5[%swap3A_58], %swap3A_61 {strides = array<i32>} : memref<8192xf32, #tpu.memory_space<vmem>>, vector<16xf32>,
    }
    %scan3A_7 = arith.constant 128 : i32
    %mul3A_8 = arith.constant 64 : i32
    %mul3A_9 = arith.muli %mul3A_2, %mul3A_8 : i32
    %dma_start3A = tpu.memref_slice %arg3[%mul3A_9] : memref<262144xf32, #tpu.memory_space<hbm>> -> memref<8192xf32, #tpu.memory_space<hbm>>
    %dma_start3A_10 = tpu.memref_slice %arg3[%mul3A_9] : memref<262144xf32, #tpu.memory_space<hbm>> -> memref<8192xf32, #tpu.memory_space<hbm>>
    tpu.enqueue_dma source(%arg5 : memref<8192xf32, #tpu.memory_space<vmem>>) target(%dma_start3A_10 : memref<8192xf32, #tpu.memory_space<hbm>>) target_semaphore(%arg7 : memref<!tpu.dma_semaphore, #tpu.memory_space<semaphore_mem>>)
    %dma_wait3A = tpu.memref_slice %arg3[%mul3A_9] : memref<262144xf32, #tpu.memory_space<hbm>> -> memref<8192xf32, #tpu.memory_space<hbm>>
    %dma_wait3A_11 = tpu.memref_slice %arg3[%mul3A_9] : memref<262144xf32, #tpu.memory_space<hbm>> -> memref<8192xf32, #tpu.memory_space<hbm>>
    tpu.wait_dma2 semaphore(%arg7 : memref<!tpu.dma_semaphore, #tpu.memory_space<semaphore_mem>>) src(%arg5 : memref<8192xf32, #tpu.memory_space<vmem>>) dst(%dma_wait3A_11 : memref<8192xf32, #tpu.memory_space<hbm>>)
    return
  }
}

module attributes {stable_mosaic.version = 14 : i64} {
  func.func @_mat_body(%arg0: i32, %arg1: memref<64x4096xf32, #tpu.memory_space<vmem>>, %arg2: memref<2048x64x2048xf32, #tpu.memory_space<hbm>>, %arg3: memref<2x64x4096xf32, #tpu.memory_space<vmem>>, %arg4: memref<2x!tpu.dma_semaphore, #tpu.memory_space<semaphore_mem>>) attributes {dimension_semantics = [#tpu.dimension_semantics<arbitrary>], iteration_bounds = array<i64: 128>, scalar_prefetch = 0 : i64, scratch_operands = 2 : i64, tpu.core_type = #tpu.core_type<tc>, window_params = [{pipeline_mode = #tpu.pipeline_mode<synchronous>, transform_indices = @transform_0, window_bounds = array<i64: 64, 4096>}, {}]} {
    %jit3A = arith.constant 2 : i32
    %eq3A = arith.constant 0 : i32
    %eq3A_0 = arith.cmpi eq, %jit3A, %eq3A : i32
    %jit3A_1 = arith.constant 1 : i32
    %select_n3A = arith.select %eq3A_0, %jit3A_1, %jit3A : i32
    %rem3A = arith.remsi %arg0, %select_n3A : i32
    %ne3A = arith.constant 0 : i32
    %ne3A_2 = arith.cmpi ne, %rem3A, %ne3A : i32
    %lt3A = arith.constant 0 : i32
    %lt3A_3 = arith.cmpi slt, %rem3A, %lt3A : i32
    %lt3A_4 = arith.constant 0 : i32
    %lt3A_5 = arith.cmpi slt, %select_n3A, %lt3A_4 : i32
    %ne3A_6 = arith.xori %lt3A_3, %lt3A_5 : i1
    %and3A = arith.andi %ne3A_6, %ne3A_2 : i1
    %add3A = arith.addi %rem3A, %select_n3A : i32
    %select_n3A_7 = arith.select %and3A, %add3A, %rem3A : i32
    %ge3A = arith.constant 2 : i32
    %ge3A_8 = arith.cmpi sge, %arg0, %ge3A : i32
    %convert_element_type3A = arith.extui %ge3A_8 : i1 to i32
    %cond3A = arith.constant 0 : i32
    %cond3A_9 = arith.cmpi ne, %convert_element_type3A, %cond3A : i32
    scf.if %cond3A_9 {
      %dma_wait3A = arith.constant 0 : i32
      %dma_wait3A_246 = arith.constant 0 : i32
      %dma_wait3A_247 = tpu.memref_slice %arg4[%select_n3A_7] : memref<2x!tpu.dma_semaphore, #tpu.memory_space<semaphore_mem>> -> memref<1x!tpu.dma_semaphore, #tpu.memory_space<semaphore_mem>>
      %dma_wait3A_248 = tpu.memref_squeeze %dma_wait3A_247 : memref<1x!tpu.dma_semaphore, #tpu.memory_space<semaphore_mem>> -> memref<!tpu.dma_semaphore, #tpu.memory_space<semaphore_mem>>
      %dma_wait3A_249 = arith.constant 0 : i32
      %dma_wait3A_250 = arith.constant 0 : i32
      %dma_wait3A_251 = tpu.memref_slice %arg2[%dma_wait3A_246, %dma_wait3A_249, %dma_wait3A_250] : memref<2048x64x2048xf32, #tpu.memory_space<hbm>> -> memref<1x64x2048xf32, #tpu.memory_space<hbm>>
      %dma_wait3A_252 = tpu.memref_squeeze %dma_wait3A_251 : memref<1x64x2048xf32, #tpu.memory_space<hbm>> -> memref<64x2048xf32, #tpu.memory_space<hbm>>
      %dma_wait3A_253 = arith.constant 0 : i32
      %dma_wait3A_254 = arith.constant 0 : i32
      %dma_wait3A_255 = tpu.memref_slice %arg3[%dma_wait3A, %dma_wait3A_253, %dma_wait3A_254] : memref<2x64x4096xf32, #tpu.memory_space<vmem>> -> memref<1x64x2048xf32, #tpu.memory_space<vmem>>
      %dma_wait3A_256 = tpu.memref_squeeze %dma_wait3A_255 : memref<1x64x2048xf32, #tpu.memory_space<vmem>> -> memref<64x2048xf32, #tpu.memory_space<vmem>>
      tpu.wait_dma2 semaphore(%dma_wait3A_248 : memref<!tpu.dma_semaphore, #tpu.memory_space<semaphore_mem>>) src(%dma_wait3A_256 : memref<64x2048xf32, #tpu.memory_space<vmem>>) dst(%dma_wait3A_252 : memref<64x2048xf32, #tpu.memory_space<hbm>>)
      %dma_wait3A_257 = arith.constant 0 : i32
      %dma_wait3A_258 = arith.constant 0 : i32
      %dma_wait3A_259 = tpu.memref_slice %arg4[%select_n3A_7] : memref<2x!tpu.dma_semaphore, #tpu.memory_space<semaphore_mem>> -> memref<1x!tpu.dma_semaphore, #tpu.memory_space<semaphore_mem>>
      %dma_wait3A_260 = tpu.memref_squeeze %dma_wait3A_259 : memref<1x!tpu.dma_semaphore, #tpu.memory_space<semaphore_mem>> -> memref<!tpu.dma_semaphore, #tpu.memory_space<semaphore_mem>>
      %dma_wait3A_261 = arith.constant 0 : i32
      %dma_wait3A_262 = arith.constant 0 : i32
      %dma_wait3A_263 = tpu.memref_slice %arg2[%dma_wait3A_258, %dma_wait3A_261, %dma_wait3A_262] : memref<2048x64x2048xf32, #tpu.memory_space<hbm>> -> memref<1x64x2048xf32, #tpu.memory_space<hbm>>
      %dma_wait3A_264 = tpu.memref_squeeze %dma_wait3A_263 : memref<1x64x2048xf32, #tpu.memory_space<hbm>> -> memref<64x2048xf32, #tpu.memory_space<hbm>>
      %dma_wait3A_265 = arith.constant 0 : i32
      %dma_wait3A_266 = arith.constant 0 : i32
      %dma_wait3A_267 = tpu.memref_slice %arg3[%dma_wait3A_257, %dma_wait3A_265, %dma_wait3A_266] : memref<2x64x4096xf32, #tpu.memory_space<vmem>> -> memref<1x64x2048xf32, #tpu.memory_space<vmem>>
      %dma_wait3A_268 = tpu.memref_squeeze %dma_wait3A_267 : memref<1x64x2048xf32, #tpu.memory_space<vmem>> -> memref<64x2048xf32, #tpu.memory_space<vmem>>
      tpu.wait_dma2 semaphore(%dma_wait3A_260 : memref<!tpu.dma_semaphore, #tpu.memory_space<semaphore_mem>>) src(%dma_wait3A_268 : memref<64x2048xf32, #tpu.memory_space<vmem>>) dst(%dma_wait3A_264 : memref<64x2048xf32, #tpu.memory_space<hbm>>)
      %dma_wait3A_269 = arith.constant 0 : i32
      %dma_wait3A_270 = arith.constant 0 : i32
      %dma_wait3A_271 = tpu.memref_slice %arg4[%select_n3A_7] : memref<2x!tpu.dma_semaphore, #tpu.memory_space<semaphore_mem>> -> memref<1x!tpu.dma_semaphore, #tpu.memory_space<semaphore_mem>>
      %dma_wait3A_272 = tpu.memref_squeeze %dma_wait3A_271 : memref<1x!tpu.dma_semaphore, #tpu.memory_space<semaphore_mem>> -> memref<!tpu.dma_semaphore, #tpu.memory_space<semaphore_mem>>
      %dma_wait3A_273 = arith.constant 0 : i32
      %dma_wait3A_274 = arith.constant 0 : i32
      %dma_wait3A_275 = tpu.memref_slice %arg2[%dma_wait3A_270, %dma_wait3A_273, %dma_wait3A_274] : memref<2048x64x2048xf32, #tpu.memory_space<hbm>> -> memref<1x64x2048xf32, #tpu.memory_space<hbm>>
      %dma_wait3A_276 = tpu.memref_squeeze %dma_wait3A_275 : memref<1x64x2048xf32, #tpu.memory_space<hbm>> -> memref<64x2048xf32, #tpu.memory_space<hbm>>
      %dma_wait3A_277 = arith.constant 0 : i32
      %dma_wait3A_278 = arith.constant 0 : i32
      %dma_wait3A_279 = tpu.memref_slice %arg3[%dma_wait3A_269, %dma_wait3A_277, %dma_wait3A_278] : memref<2x64x4096xf32, #tpu.memory_space<vmem>> -> memref<1x64x2048xf32, #tpu.memory_space<vmem>>
      %dma_wait3A_280 = tpu.memref_squeeze %dma_wait3A_279 : memref<1x64x2048xf32, #tpu.memory_space<vmem>> -> memref<64x2048xf32, #tpu.memory_space<vmem>>
      tpu.wait_dma2 semaphore(%dma_wait3A_272 : memref<!tpu.dma_semaphore, #tpu.memory_space<semaphore_mem>>) src(%dma_wait3A_280 : memref<64x2048xf32, #tpu.memory_space<vmem>>) dst(%dma_wait3A_276 : memref<64x2048xf32, #tpu.memory_space<hbm>>)
      %dma_wait3A_281 = arith.constant 0 : i32
      %dma_wait3A_282 = arith.constant 0 : i32
      %dma_wait3A_283 = tpu.memref_slice %arg4[%select_n3A_7] : memref<2x!tpu.dma_semaphore, #tpu.memory_space<semaphore_mem>> -> memref<1x!tpu.dma_semaphore, #tpu.memory_space<semaphore_mem>>
      %dma_wait3A_284 = tpu.memref_squeeze %dma_wait3A_283 : memref<1x!tpu.dma_semaphore, #tpu.memory_space<semaphore_mem>> -> memref<!tpu.dma_semaphore, #tpu.memory_space<semaphore_mem>>
      %dma_wait3A_285 = arith.constant 0 : i32
      %dma_wait3A_286 = arith.constant 0 : i32
      %dma_wait3A_287 = tpu.memref_slice %arg2[%dma_wait3A_282, %dma_wait3A_285, %dma_wait3A_286] : memref<2048x64x2048xf32, #tpu.memory_space<hbm>> -> memref<1x64x2048xf32, #tpu.memory_space<hbm>>
      %dma_wait3A_288 = tpu.memref_squeeze %dma_wait3A_287 : memref<1x64x2048xf32, #tpu.memory_space<hbm>> -> memref<64x2048xf32, #tpu.memory_space<hbm>>
      %dma_wait3A_289 = arith.constant 0 : i32
      %dma_wait3A_290 = arith.constant 0 : i32
      %dma_wait3A_291 = tpu.memref_slice %arg3[%dma_wait3A_281, %dma_wait3A_289, %dma_wait3A_290] : memref<2x64x4096xf32, #tpu.memory_space<vmem>> -> memref<1x64x2048xf32, #tpu.memory_space<vmem>>
      %dma_wait3A_292 = tpu.memref_squeeze %dma_wait3A_291 : memref<1x64x2048xf32, #tpu.memory_space<vmem>> -> memref<64x2048xf32, #tpu.memory_space<vmem>>
      tpu.wait_dma2 semaphore(%dma_wait3A_284 : memref<!tpu.dma_semaphore, #tpu.memory_space<semaphore_mem>>) src(%dma_wait3A_292 : memref<64x2048xf32, #tpu.memory_space<vmem>>) dst(%dma_wait3A_288 : memref<64x2048xf32, #tpu.memory_space<hbm>>)
      %dma_wait3A_293 = arith.constant 0 : i32
      %dma_wait3A_294 = arith.constant 0 : i32
      %dma_wait3A_295 = tpu.memref_slice %arg4[%select_n3A_7] : memref<2x!tpu.dma_semaphore, #tpu.memory_space<semaphore_mem>> -> memref<1x!tpu.dma_semaphore, #tpu.memory_space<semaphore_mem>>
      %dma_wait3A_296 = tpu.memref_squeeze %dma_wait3A_295 : memref<1x!tpu.dma_semaphore, #tpu.memory_space<semaphore_mem>> -> memref<!tpu.dma_semaphore, #tpu.memory_space<semaphore_mem>>
      %dma_wait3A_297 = arith.constant 0 : i32
      %dma_wait3A_298 = arith.constant 0 : i32
      %dma_wait3A_299 = tpu.memref_slice %arg2[%dma_wait3A_294, %dma_wait3A_297, %dma_wait3A_298] : memref<2048x64x2048xf32, #tpu.memory_space<hbm>> -> memref<1x64x2048xf32, #tpu.memory_space<hbm>>
      %dma_wait3A_300 = tpu.memref_squeeze %dma_wait3A_299 : memref<1x64x2048xf32, #tpu.memory_space<hbm>> -> memref<64x2048xf32, #tpu.memory_space<hbm>>
      %dma_wait3A_301 = arith.constant 0 : i32
      %dma_wait3A_302 = arith.constant 0 : i32
      %dma_wait3A_303 = tpu.memref_slice %arg3[%dma_wait3A_293, %dma_wait3A_301, %dma_wait3A_302] : memref<2x64x4096xf32, #tpu.memory_space<vmem>> -> memref<1x64x2048xf32, #tpu.memory_space<vmem>>
      %dma_wait3A_304 = tpu.memref_squeeze %dma_wait3A_303 : memref<1x64x2048xf32, #tpu.memory_space<vmem>> -> memref<64x2048xf32, #tpu.memory_space<vmem>>
      tpu.wait_dma2 semaphore(%dma_wait3A_296 : memref<!tpu.dma_semaphore, #tpu.memory_space<semaphore_mem>>) src(%dma_wait3A_304 : memref<64x2048xf32, #tpu.memory_space<vmem>>) dst(%dma_wait3A_300 : memref<64x2048xf32, #tpu.memory_space<hbm>>)
      %dma_wait3A_305 = arith.constant 0 : i32
      %dma_wait3A_306 = arith.constant 0 : i32
      %dma_wait3A_307 = tpu.memref_slice %arg4[%select_n3A_7] : memref<2x!tpu.dma_semaphore, #tpu.memory_space<semaphore_mem>> -> memref<1x!tpu.dma_semaphore, #tpu.memory_space<semaphore_mem>>
      %dma_wait3A_308 = tpu.memref_squeeze %dma_wait3A_307 : memref<1x!tpu.dma_semaphore, #tpu.memory_space<semaphore_mem>> -> memref<!tpu.dma_semaphore, #tpu.memory_space<semaphore_mem>>
      %dma_wait3A_309 = arith.constant 0 : i32
      %dma_wait3A_310 = arith.constant 0 : i32
      %dma_wait3A_311 = tpu.memref_slice %arg2[%dma_wait3A_306, %dma_wait3A_309, %dma_wait3A_310] : memref<2048x64x2048xf32, #tpu.memory_space<hbm>> -> memref<1x64x2048xf32, #tpu.memory_space<hbm>>
      %dma_wait3A_312 = tpu.memref_squeeze %dma_wait3A_311 : memref<1x64x2048xf32, #tpu.memory_space<hbm>> -> memref<64x2048xf32, #tpu.memory_space<hbm>>
      %dma_wait3A_313 = arith.constant 0 : i32
      %dma_wait3A_314 = arith.constant 0 : i32
      %dma_wait3A_315 = tpu.memref_slice %arg3[%dma_wait3A_305, %dma_wait3A_313, %dma_wait3A_314] : memref<2x64x4096xf32, #tpu.memory_space<vmem>> -> memref<1x64x2048xf32, #tpu.memory_space<vmem>>
      %dma_wait3A_316 = tpu.memref_squeeze %dma_wait3A_315 : memref<1x64x2048xf32, #tpu.memory_space<vmem>> -> memref<64x2048xf32, #tpu.memory_space<vmem>>
      tpu.wait_dma2 semaphore(%dma_wait3A_308 : memref<!tpu.dma_semaphore, #tpu.memory_space<semaphore_mem>>) src(%dma_wait3A_316 : memref<64x2048xf32, #tpu.memory_space<vmem>>) dst(%dma_wait3A_312 : memref<64x2048xf32, #tpu.memory_space<hbm>>)
      %dma_wait3A_317 = arith.constant 0 : i32
      %dma_wait3A_318 = arith.constant 0 : i32
      %dma_wait3A_319 = tpu.memref_slice %arg4[%select_n3A_7] : memref<2x!tpu.dma_semaphore, #tpu.memory_space<semaphore_mem>> -> memref<1x!tpu.dma_semaphore, #tpu.memory_space<semaphore_mem>>
      %dma_wait3A_320 = tpu.memref_squeeze %dma_wait3A_319 : memref<1x!tpu.dma_semaphore, #tpu.memory_space<semaphore_mem>> -> memref<!tpu.dma_semaphore, #tpu.memory_space<semaphore_mem>>
      %dma_wait3A_321 = arith.constant 0 : i32
      %dma_wait3A_322 = arith.constant 0 : i32
      %dma_wait3A_323 = tpu.memref_slice %arg2[%dma_wait3A_318, %dma_wait3A_321, %dma_wait3A_322] : memref<2048x64x2048xf32, #tpu.memory_space<hbm>> -> memref<1x64x2048xf32, #tpu.memory_space<hbm>>
      %dma_wait3A_324 = tpu.memref_squeeze %dma_wait3A_323 : memref<1x64x2048xf32, #tpu.memory_space<hbm>> -> memref<64x2048xf32, #tpu.memory_space<hbm>>
      %dma_wait3A_325 = arith.constant 0 : i32
      %dma_wait3A_326 = arith.constant 0 : i32
      %dma_wait3A_327 = tpu.memref_slice %arg3[%dma_wait3A_317, %dma_wait3A_325, %dma_wait3A_326] : memref<2x64x4096xf32, #tpu.memory_space<vmem>> -> memref<1x64x2048xf32, #tpu.memory_space<vmem>>
      %dma_wait3A_328 = tpu.memref_squeeze %dma_wait3A_327 : memref<1x64x2048xf32, #tpu.memory_space<vmem>> -> memref<64x2048xf32, #tpu.memory_space<vmem>>
      tpu.wait_dma2 semaphore(%dma_wait3A_320 : memref<!tpu.dma_semaphore, #tpu.memory_space<semaphore_mem>>) src(%dma_wait3A_328 : memref<64x2048xf32, #tpu.memory_space<vmem>>) dst(%dma_wait3A_324 : memref<64x2048xf32, #tpu.memory_space<hbm>>)
      %dma_wait3A_329 = arith.constant 0 : i32
      %dma_wait3A_330 = arith.constant 0 : i32
      %dma_wait3A_331 = tpu.memref_slice %arg4[%select_n3A_7] : memref<2x!tpu.dma_semaphore, #tpu.memory_space<semaphore_mem>> -> memref<1x!tpu.dma_semaphore, #tpu.memory_space<semaphore_mem>>
      %dma_wait3A_332 = tpu.memref_squeeze %dma_wait3A_331 : memref<1x!tpu.dma_semaphore, #tpu.memory_space<semaphore_mem>> -> memref<!tpu.dma_semaphore, #tpu.memory_space<semaphore_mem>>
      %dma_wait3A_333 = arith.constant 0 : i32
      %dma_wait3A_334 = arith.constant 0 : i32
      %dma_wait3A_335 = tpu.memref_slice %arg2[%dma_wait3A_330, %dma_wait3A_333, %dma_wait3A_334] : memref<2048x64x2048xf32, #tpu.memory_space<hbm>> -> memref<1x64x2048xf32, #tpu.memory_space<hbm>>
      %dma_wait3A_336 = tpu.memref_squeeze %dma_wait3A_335 : memref<1x64x2048xf32, #tpu.memory_space<hbm>> -> memref<64x2048xf32, #tpu.memory_space<hbm>>
      %dma_wait3A_337 = arith.constant 0 : i32
      %dma_wait3A_338 = arith.constant 0 : i32
      %dma_wait3A_339 = tpu.memref_slice %arg3[%dma_wait3A_329, %dma_wait3A_337, %dma_wait3A_338] : memref<2x64x4096xf32, #tpu.memory_space<vmem>> -> memref<1x64x2048xf32, #tpu.memory_space<vmem>>
      %dma_wait3A_340 = tpu.memref_squeeze %dma_wait3A_339 : memref<1x64x2048xf32, #tpu.memory_space<vmem>> -> memref<64x2048xf32, #tpu.memory_space<vmem>>
      tpu.wait_dma2 semaphore(%dma_wait3A_332 : memref<!tpu.dma_semaphore, #tpu.memory_space<semaphore_mem>>) src(%dma_wait3A_340 : memref<64x2048xf32, #tpu.memory_space<vmem>>) dst(%dma_wait3A_336 : memref<64x2048xf32, #tpu.memory_space<hbm>>)
      %dma_wait3A_341 = arith.constant 0 : i32
      %dma_wait3A_342 = arith.constant 0 : i32
      %dma_wait3A_343 = tpu.memref_slice %arg4[%select_n3A_7] : memref<2x!tpu.dma_semaphore, #tpu.memory_space<semaphore_mem>> -> memref<1x!tpu.dma_semaphore, #tpu.memory_space<semaphore_mem>>
      %dma_wait3A_344 = tpu.memref_squeeze %dma_wait3A_343 : memref<1x!tpu.dma_semaphore, #tpu.memory_space<semaphore_mem>> -> memref<!tpu.dma_semaphore, #tpu.memory_space<semaphore_mem>>
      %dma_wait3A_345 = arith.constant 0 : i32
      %dma_wait3A_346 = arith.constant 0 : i32
      %dma_wait3A_347 = tpu.memref_slice %arg2[%dma_wait3A_342, %dma_wait3A_345, %dma_wait3A_346] : memref<2048x64x2048xf32, #tpu.memory_space<hbm>> -> memref<1x64x2048xf32, #tpu.memory_space<hbm>>
      %dma_wait3A_348 = tpu.memref_squeeze %dma_wait3A_347 : memref<1x64x2048xf32, #tpu.memory_space<hbm>> -> memref<64x2048xf32, #tpu.memory_space<hbm>>
      %dma_wait3A_349 = arith.constant 0 : i32
      %dma_wait3A_350 = arith.constant 0 : i32
      %dma_wait3A_351 = tpu.memref_slice %arg3[%dma_wait3A_341, %dma_wait3A_349, %dma_wait3A_350] : memref<2x64x4096xf32, #tpu.memory_space<vmem>> -> memref<1x64x2048xf32, #tpu.memory_space<vmem>>
      %dma_wait3A_352 = tpu.memref_squeeze %dma_wait3A_351 : memref<1x64x2048xf32, #tpu.memory_space<vmem>> -> memref<64x2048xf32, #tpu.memory_space<vmem>>
      tpu.wait_dma2 semaphore(%dma_wait3A_344 : memref<!tpu.dma_semaphore, #tpu.memory_space<semaphore_mem>>) src(%dma_wait3A_352 : memref<64x2048xf32, #tpu.memory_space<vmem>>) dst(%dma_wait3A_348 : memref<64x2048xf32, #tpu.memory_space<hbm>>)
      %dma_wait3A_353 = arith.constant 0 : i32
      %dma_wait3A_354 = arith.constant 0 : i32
      %dma_wait3A_355 = tpu.memref_slice %arg4[%select_n3A_7] : memref<2x!tpu.dma_semaphore, #tpu.memory_space<semaphore_mem>> -> memref<1x!tpu.dma_semaphore, #tpu.memory_space<semaphore_mem>>
      %dma_wait3A_356 = tpu.memref_squeeze %dma_wait3A_355 : memref<1x!tpu.dma_semaphore, #tpu.memory_space<semaphore_mem>> -> memref<!tpu.dma_semaphore, #tpu.memory_space<semaphore_mem>>
      %dma_wait3A_357 = arith.constant 0 : i32
      %dma_wait3A_358 = arith.constant 0 : i32
      %dma_wait3A_359 = tpu.memref_slice %arg2[%dma_wait3A_354, %dma_wait3A_357, %dma_wait3A_358] : memref<2048x64x2048xf32, #tpu.memory_space<hbm>> -> memref<1x64x2048xf32, #tpu.memory_space<hbm>>
      %dma_wait3A_360 = tpu.memref_squeeze %dma_wait3A_359 : memref<1x64x2048xf32, #tpu.memory_space<hbm>> -> memref<64x2048xf32, #tpu.memory_space<hbm>>
      %dma_wait3A_361 = arith.constant 0 : i32
      %dma_wait3A_362 = arith.constant 0 : i32
      %dma_wait3A_363 = tpu.memref_slice %arg3[%dma_wait3A_353, %dma_wait3A_361, %dma_wait3A_362] : memref<2x64x4096xf32, #tpu.memory_space<vmem>> -> memref<1x64x2048xf32, #tpu.memory_space<vmem>>
      %dma_wait3A_364 = tpu.memref_squeeze %dma_wait3A_363 : memref<1x64x2048xf32, #tpu.memory_space<vmem>> -> memref<64x2048xf32, #tpu.memory_space<vmem>>
      tpu.wait_dma2 semaphore(%dma_wait3A_356 : memref<!tpu.dma_semaphore, #tpu.memory_space<semaphore_mem>>) src(%dma_wait3A_364 : memref<64x2048xf32, #tpu.memory_space<vmem>>) dst(%dma_wait3A_360 : memref<64x2048xf32, #tpu.memory_space<hbm>>)
      %dma_wait3A_365 = arith.constant 0 : i32
      %dma_wait3A_366 = arith.constant 0 : i32
      %dma_wait3A_367 = tpu.memref_slice %arg4[%select_n3A_7] : memref<2x!tpu.dma_semaphore, #tpu.memory_space<semaphore_mem>> -> memref<1x!tpu.dma_semaphore, #tpu.memory_space<semaphore_mem>>
      %dma_wait3A_368 = tpu.memref_squeeze %dma_wait3A_367 : memref<1x!tpu.dma_semaphore, #tpu.memory_space<semaphore_mem>> -> memref<!tpu.dma_semaphore, #tpu.memory_space<semaphore_mem>>
      %dma_wait3A_369 = arith.constant 0 : i32
      %dma_wait3A_370 = arith.constant 0 : i32
      %dma_wait3A_371 = tpu.memref_slice %arg2[%dma_wait3A_366, %dma_wait3A_369, %dma_wait3A_370] : memref<2048x64x2048xf32, #tpu.memory_space<hbm>> -> memref<1x64x2048xf32, #tpu.memory_space<hbm>>
      %dma_wait3A_372 = tpu.memref_squeeze %dma_wait3A_371 : memref<1x64x2048xf32, #tpu.memory_space<hbm>> -> memref<64x2048xf32, #tpu.memory_space<hbm>>
      %dma_wait3A_373 = arith.constant 0 : i32
      %dma_wait3A_374 = arith.constant 0 : i32
      %dma_wait3A_375 = tpu.memref_slice %arg3[%dma_wait3A_365, %dma_wait3A_373, %dma_wait3A_374] : memref<2x64x4096xf32, #tpu.memory_space<vmem>> -> memref<1x64x2048xf32, #tpu.memory_space<vmem>>
      %dma_wait3A_376 = tpu.memref_squeeze %dma_wait3A_375 : memref<1x64x2048xf32, #tpu.memory_space<vmem>> -> memref<64x2048xf32, #tpu.memory_space<vmem>>
      tpu.wait_dma2 semaphore(%dma_wait3A_368 : memref<!tpu.dma_semaphore, #tpu.memory_space<semaphore_mem>>) src(%dma_wait3A_376 : memref<64x2048xf32, #tpu.memory_space<vmem>>) dst(%dma_wait3A_372 : memref<64x2048xf32, #tpu.memory_space<hbm>>)
      %dma_wait3A_377 = arith.constant 0 : i32
      %dma_wait3A_378 = arith.constant 0 : i32
      %dma_wait3A_379 = tpu.memref_slice %arg4[%select_n3A_7] : memref<2x!tpu.dma_semaphore, #tpu.memory_space<semaphore_mem>> -> memref<1x!tpu.dma_semaphore, #tpu.memory_space<semaphore_mem>>
      %dma_wait3A_380 = tpu.memref_squeeze %dma_wait3A_379 : memref<1x!tpu.dma_semaphore, #tpu.memory_space<semaphore_mem>> -> memref<!tpu.dma_semaphore, #tpu.memory_space<semaphore_mem>>
      %dma_wait3A_381 = arith.constant 0 : i32
      %dma_wait3A_382 = arith.constant 0 : i32
      %dma_wait3A_383 = tpu.memref_slice %arg2[%dma_wait3A_378, %dma_wait3A_381, %dma_wait3A_382] : memref<2048x64x2048xf32, #tpu.memory_space<hbm>> -> memref<1x64x2048xf32, #tpu.memory_space<hbm>>
      %dma_wait3A_384 = tpu.memref_squeeze %dma_wait3A_383 : memref<1x64x2048xf32, #tpu.memory_space<hbm>> -> memref<64x2048xf32, #tpu.memory_space<hbm>>
      %dma_wait3A_385 = arith.constant 0 : i32
      %dma_wait3A_386 = arith.constant 0 : i32
      %dma_wait3A_387 = tpu.memref_slice %arg3[%dma_wait3A_377, %dma_wait3A_385, %dma_wait3A_386] : memref<2x64x4096xf32, #tpu.memory_space<vmem>> -> memref<1x64x2048xf32, #tpu.memory_space<vmem>>
      %dma_wait3A_388 = tpu.memref_squeeze %dma_wait3A_387 : memref<1x64x2048xf32, #tpu.memory_space<vmem>> -> memref<64x2048xf32, #tpu.memory_space<vmem>>
      tpu.wait_dma2 semaphore(%dma_wait3A_380 : memref<!tpu.dma_semaphore, #tpu.memory_space<semaphore_mem>>) src(%dma_wait3A_388 : memref<64x2048xf32, #tpu.memory_space<vmem>>) dst(%dma_wait3A_384 : memref<64x2048xf32, #tpu.memory_space<hbm>>)
      %dma_wait3A_389 = arith.constant 0 : i32
      %dma_wait3A_390 = arith.constant 0 : i32
      %dma_wait3A_391 = tpu.memref_slice %arg4[%select_n3A_7] : memref<2x!tpu.dma_semaphore, #tpu.memory_space<semaphore_mem>> -> memref<1x!tpu.dma_semaphore, #tpu.memory_space<semaphore_mem>>
      %dma_wait3A_392 = tpu.memref_squeeze %dma_wait3A_391 : memref<1x!tpu.dma_semaphore, #tpu.memory_space<semaphore_mem>> -> memref<!tpu.dma_semaphore, #tpu.memory_space<semaphore_mem>>
      %dma_wait3A_393 = arith.constant 0 : i32
      %dma_wait3A_394 = arith.constant 0 : i32
      %dma_wait3A_395 = tpu.memref_slice %arg2[%dma_wait3A_390, %dma_wait3A_393, %dma_wait3A_394] : memref<2048x64x2048xf32, #tpu.memory_space<hbm>> -> memref<1x64x2048xf32, #tpu.memory_space<hbm>>
      %dma_wait3A_396 = tpu.memref_squeeze %dma_wait3A_395 : memref<1x64x2048xf32, #tpu.memory_space<hbm>> -> memref<64x2048xf32, #tpu.memory_space<hbm>>
      %dma_wait3A_397 = arith.constant 0 : i32
      %dma_wait3A_398 = arith.constant 0 : i32
      %dma_wait3A_399 = tpu.memref_slice %arg3[%dma_wait3A_389, %dma_wait3A_397, %dma_wait3A_398] : memref<2x64x4096xf32, #tpu.memory_space<vmem>> -> memref<1x64x2048xf32, #tpu.memory_space<vmem>>
      %dma_wait3A_400 = tpu.memref_squeeze %dma_wait3A_399 : memref<1x64x2048xf32, #tpu.memory_space<vmem>> -> memref<64x2048xf32, #tpu.memory_space<vmem>>
      tpu.wait_dma2 semaphore(%dma_wait3A_392 : memref<!tpu.dma_semaphore, #tpu.memory_space<semaphore_mem>>) src(%dma_wait3A_400 : memref<64x2048xf32, #tpu.memory_space<vmem>>) dst(%dma_wait3A_396 : memref<64x2048xf32, #tpu.memory_space<hbm>>)
      %dma_wait3A_401 = arith.constant 0 : i32
      %dma_wait3A_402 = arith.constant 0 : i32
      %dma_wait3A_403 = tpu.memref_slice %arg4[%select_n3A_7] : memref<2x!tpu.dma_semaphore, #tpu.memory_space<semaphore_mem>> -> memref<1x!tpu.dma_semaphore, #tpu.memory_space<semaphore_mem>>
      %dma_wait3A_404 = tpu.memref_squeeze %dma_wait3A_403 : memref<1x!tpu.dma_semaphore, #tpu.memory_space<semaphore_mem>> -> memref<!tpu.dma_semaphore, #tpu.memory_space<semaphore_mem>>
      %dma_wait3A_405 = arith.constant 0 : i32
      %dma_wait3A_406 = arith.constant 0 : i32
      %dma_wait3A_407 = tpu.memref_slice %arg2[%dma_wait3A_402, %dma_wait3A_405, %dma_wait3A_406] : memref<2048x64x2048xf32, #tpu.memory_space<hbm>> -> memref<1x64x2048xf32, #tpu.memory_space<hbm>>
      %dma_wait3A_408 = tpu.memref_squeeze %dma_wait3A_407 : memref<1x64x2048xf32, #tpu.memory_space<hbm>> -> memref<64x2048xf32, #tpu.memory_space<hbm>>
      %dma_wait3A_409 = arith.constant 0 : i32
      %dma_wait3A_410 = arith.constant 0 : i32
      %dma_wait3A_411 = tpu.memref_slice %arg3[%dma_wait3A_401, %dma_wait3A_409, %dma_wait3A_410] : memref<2x64x4096xf32, #tpu.memory_space<vmem>> -> memref<1x64x2048xf32, #tpu.memory_space<vmem>>
      %dma_wait3A_412 = tpu.memref_squeeze %dma_wait3A_411 : memref<1x64x2048xf32, #tpu.memory_space<vmem>> -> memref<64x2048xf32, #tpu.memory_space<vmem>>
      tpu.wait_dma2 semaphore(%dma_wait3A_404 : memref<!tpu.dma_semaphore, #tpu.memory_space<semaphore_mem>>) src(%dma_wait3A_412 : memref<64x2048xf32, #tpu.memory_space<vmem>>) dst(%dma_wait3A_408 : memref<64x2048xf32, #tpu.memory_space<hbm>>)
      %dma_wait3A_413 = arith.constant 0 : i32
      %dma_wait3A_414 = arith.constant 0 : i32
      %dma_wait3A_415 = tpu.memref_slice %arg4[%select_n3A_7] : memref<2x!tpu.dma_semaphore, #tpu.memory_space<semaphore_mem>> -> memref<1x!tpu.dma_semaphore, #tpu.memory_space<semaphore_mem>>
      %dma_wait3A_416 = tpu.memref_squeeze %dma_wait3A_415 : memref<1x!tpu.dma_semaphore, #tpu.memory_space<semaphore_mem>> -> memref<!tpu.dma_semaphore, #tpu.memory_space<semaphore_mem>>
      %dma_wait3A_417 = arith.constant 0 : i32
      %dma_wait3A_418 = arith.constant 0 : i32
      %dma_wait3A_419 = tpu.memref_slice %arg2[%dma_wait3A_414, %dma_wait3A_417, %dma_wait3A_418] : memref<2048x64x2048xf32, #tpu.memory_space<hbm>> -> memref<1x64x2048xf32, #tpu.memory_space<hbm>>
      %dma_wait3A_420 = tpu.memref_squeeze %dma_wait3A_419 : memref<1x64x2048xf32, #tpu.memory_space<hbm>> -> memref<64x2048xf32, #tpu.memory_space<hbm>>
      %dma_wait3A_421 = arith.constant 0 : i32
      %dma_wait3A_422 = arith.constant 0 : i32
      %dma_wait3A_423 = tpu.memref_slice %arg3[%dma_wait3A_413, %dma_wait3A_421, %dma_wait3A_422] : memref<2x64x4096xf32, #tpu.memory_space<vmem>> -> memref<1x64x2048xf32, #tpu.memory_space<vmem>>
      %dma_wait3A_424 = tpu.memref_squeeze %dma_wait3A_423 : memref<1x64x2048xf32, #tpu.memory_space<vmem>> -> memref<64x2048xf32, #tpu.memory_space<vmem>>
      tpu.wait_dma2 semaphore(%dma_wait3A_416 : memref<!tpu.dma_semaphore, #tpu.memory_space<semaphore_mem>>) src(%dma_wait3A_424 : memref<64x2048xf32, #tpu.memory_space<vmem>>) dst(%dma_wait3A_420 : memref<64x2048xf32, #tpu.memory_space<hbm>>)
      %dma_wait3A_425 = arith.constant 0 : i32
      %dma_wait3A_426 = arith.constant 0 : i32
      %dma_wait3A_427 = tpu.memref_slice %arg4[%select_n3A_7] : memref<2x!tpu.dma_semaphore, #tpu.memory_space<semaphore_mem>> -> memref<1x!tpu.dma_semaphore, #tpu.memory_space<semaphore_mem>>
      %dma_wait3A_428 = tpu.memref_squeeze %dma_wait3A_427 : memref<1x!tpu.dma_semaphore, #tpu.memory_space<semaphore_mem>> -> memref<!tpu.dma_semaphore, #tpu.memory_space<semaphore_mem>>
      %dma_wait3A_429 = arith.constant 0 : i32
      %dma_wait3A_430 = arith.constant 0 : i32
      %dma_wait3A_431 = tpu.memref_slice %arg2[%dma_wait3A_426, %dma_wait3A_429, %dma_wait3A_430] : memref<2048x64x2048xf32, #tpu.memory_space<hbm>> -> memref<1x64x2048xf32, #tpu.memory_space<hbm>>
      %dma_wait3A_432 = tpu.memref_squeeze %dma_wait3A_431 : memref<1x64x2048xf32, #tpu.memory_space<hbm>> -> memref<64x2048xf32, #tpu.memory_space<hbm>>
      %dma_wait3A_433 = arith.constant 0 : i32
      %dma_wait3A_434 = arith.constant 0 : i32
      %dma_wait3A_435 = tpu.memref_slice %arg3[%dma_wait3A_425, %dma_wait3A_433, %dma_wait3A_434] : memref<2x64x4096xf32, #tpu.memory_space<vmem>> -> memref<1x64x2048xf32, #tpu.memory_space<vmem>>
      %dma_wait3A_436 = tpu.memref_squeeze %dma_wait3A_435 : memref<1x64x2048xf32, #tpu.memory_space<vmem>> -> memref<64x2048xf32, #tpu.memory_space<vmem>>
      tpu.wait_dma2 semaphore(%dma_wait3A_428 : memref<!tpu.dma_semaphore, #tpu.memory_space<semaphore_mem>>) src(%dma_wait3A_436 : memref<64x2048xf32, #tpu.memory_space<vmem>>) dst(%dma_wait3A_432 : memref<64x2048xf32, #tpu.memory_space<hbm>>)
    } else {
    }
    %get3A = arith.constant 0 : index
    %get3A_10 = arith.constant 0 : index
    %get3A_11 = vector.load %arg1[%get3A, %get3A_10] : memref<64x4096xf32, #tpu.memory_space<vmem>>, vector<64x4096xf32>
    %sub3A = arith.constant 4096 : i32
    %sub3A_12 = arith.subi %sub3A, %arg0 : i32
    %roll3A = tpu.dynamic_rotate %get3A_11 by %sub3A_12 dim 1 : vector<64x4096xf32>, i32 -> vector<64x4096xf32>
    %swap3A = arith.index_cast %select_n3A_7 : i32 to index
    %swap3A_13 = arith.constant 0 : index
    %swap3A_14 = arith.constant 0 : index
    %swap3A_15 = vector.load %arg3[%swap3A, %swap3A_13, %swap3A_14] : memref<2x64x4096xf32, #tpu.memory_space<vmem>>, vector<1x64x4096xf32>
    %swap3A_16 = vector.shape_cast %swap3A_15 : vector<1x64x4096xf32> to vector<64x4096xf32>
    %swap3A_17 = vector.shape_cast %roll3A : vector<64x4096xf32> to vector<1x64x4096xf32>
    tpu.vector_store %arg3[%swap3A, %swap3A_13, %swap3A_14], %swap3A_17 {strides = array<i32>} : memref<2x64x4096xf32, #tpu.memory_space<vmem>>, vector<1x64x4096xf32>,
    %sub3A_18 = arith.constant 127 : i32
    %sub3A_19 = arith.subi %sub3A_18, %arg0 : i32
    %add3A_20 = arith.constant 0 : i32
    %add3A_21 = arith.addi %sub3A_19, %add3A_20 : i32
    %dma_start3A = tpu.memref_slice %arg4[%select_n3A_7] : memref<2x!tpu.dma_semaphore, #tpu.memory_space<semaphore_mem>> -> memref<1x!tpu.dma_semaphore, #tpu.memory_space<semaphore_mem>>
    %dma_start3A_22 = tpu.memref_squeeze %dma_start3A : memref<1x!tpu.dma_semaphore, #tpu.memory_space<semaphore_mem>> -> memref<!tpu.dma_semaphore, #tpu.memory_space<semaphore_mem>>
    %dma_start3A_23 = arith.constant 0 : i32
    %dma_start3A_24 = arith.constant 0 : i32
    %dma_start3A_25 = tpu.memref_slice %arg2[%add3A_21, %dma_start3A_23, %dma_start3A_24] : memref<2048x64x2048xf32, #tpu.memory_space<hbm>> -> memref<1x64x2048xf32, #tpu.memory_space<hbm>>
    %dma_start3A_26 = tpu.memref_squeeze %dma_start3A_25 : memref<1x64x2048xf32, #tpu.memory_space<hbm>> -> memref<64x2048xf32, #tpu.memory_space<hbm>>
    %dma_start3A_27 = arith.constant 0 : i32
    %dma_start3A_28 = arith.constant 1920 : i32
    %dma_start3A_29 = tpu.memref_slice %arg3[%select_n3A_7, %dma_start3A_27, %dma_start3A_28] : memref<2x64x4096xf32, #tpu.memory_space<vmem>> -> memref<1x64x2048xf32, #tpu.memory_space<vmem>>
    %dma_start3A_30 = tpu.memref_squeeze %dma_start3A_29 : memref<1x64x2048xf32, #tpu.memory_space<vmem>> -> memref<64x2048xf32, #tpu.memory_space<vmem>>
    tpu.enqueue_dma source(%dma_start3A_30 : memref<64x2048xf32, #tpu.memory_space<vmem>>) target(%dma_start3A_26 : memref<64x2048xf32, #tpu.memory_space<hbm>>) target_semaphore(%dma_start3A_22 : memref<!tpu.dma_semaphore, #tpu.memory_space<semaphore_mem>>)
    %sub3A_31 = arith.constant 127 : i32
    %sub3A_32 = arith.subi %sub3A_31, %arg0 : i32
    %add3A_33 = arith.constant 128 : i32
    %add3A_34 = arith.addi %sub3A_32, %add3A_33 : i32
    %dma_start3A_35 = tpu.memref_slice %arg4[%select_n3A_7] : memref<2x!tpu.dma_semaphore, #tpu.memory_space<semaphore_mem>> -> memref<1x!tpu.dma_semaphore, #tpu.memory_space<semaphore_mem>>
    %dma_start3A_36 = tpu.memref_squeeze %dma_start3A_35 : memref<1x!tpu.dma_semaphore, #tpu.memory_space<semaphore_mem>> -> memref<!tpu.dma_semaphore, #tpu.memory_space<semaphore_mem>>
    %dma_start3A_37 = arith.constant 0 : i32
    %dma_start3A_38 = arith.constant 0 : i32
    %dma_start3A_39 = tpu.memref_slice %arg2[%add3A_34, %dma_start3A_37, %dma_start3A_38] : memref<2048x64x2048xf32, #tpu.memory_space<hbm>> -> memref<1x64x2048xf32, #tpu.memory_space<hbm>>
    %dma_start3A_40 = tpu.memref_squeeze %dma_start3A_39 : memref<1x64x2048xf32, #tpu.memory_space<hbm>> -> memref<64x2048xf32, #tpu.memory_space<hbm>>
    %dma_start3A_41 = arith.constant 0 : i32
    %dma_start3A_42 = arith.constant 1792 : i32
    %dma_start3A_43 = tpu.memref_slice %arg3[%select_n3A_7, %dma_start3A_41, %dma_start3A_42] : memref<2x64x4096xf32, #tpu.memory_space<vmem>> -> memref<1x64x2048xf32, #tpu.memory_space<vmem>>
    %dma_start3A_44 = tpu.memref_squeeze %dma_start3A_43 : memref<1x64x2048xf32, #tpu.memory_space<vmem>> -> memref<64x2048xf32, #tpu.memory_space<vmem>>
    tpu.enqueue_dma source(%dma_start3A_44 : memref<64x2048xf32, #tpu.memory_space<vmem>>) target(%dma_start3A_40 : memref<64x2048xf32, #tpu.memory_space<hbm>>) target_semaphore(%dma_start3A_36 : memref<!tpu.dma_semaphore, #tpu.memory_space<semaphore_mem>>)
    %sub3A_45 = arith.constant 127 : i32
    %sub3A_46 = arith.subi %sub3A_45, %arg0 : i32
    %add3A_47 = arith.constant 256 : i32
    %add3A_48 = arith.addi %sub3A_46, %add3A_47 : i32
    %dma_start3A_49 = tpu.memref_slice %arg4[%select_n3A_7] : memref<2x!tpu.dma_semaphore, #tpu.memory_space<semaphore_mem>> -> memref<1x!tpu.dma_semaphore, #tpu.memory_space<semaphore_mem>>
    %dma_start3A_50 = tpu.memref_squeeze %dma_start3A_49 : memref<1x!tpu.dma_semaphore, #tpu.memory_space<semaphore_mem>> -> memref<!tpu.dma_semaphore, #tpu.memory_space<semaphore_mem>>
    %dma_start3A_51 = arith.constant 0 : i32
    %dma_start3A_52 = arith.constant 0 : i32
    %dma_start3A_53 = tpu.memref_slice %arg2[%add3A_48, %dma_start3A_51, %dma_start3A_52] : memref<2048x64x2048xf32, #tpu.memory_space<hbm>> -> memref<1x64x2048xf32, #tpu.memory_space<hbm>>
    %dma_start3A_54 = tpu.memref_squeeze %dma_start3A_53 : memref<1x64x2048xf32, #tpu.memory_space<hbm>> -> memref<64x2048xf32, #tpu.memory_space<hbm>>
    %dma_start3A_55 = arith.constant 0 : i32
    %dma_start3A_56 = arith.constant 1664 : i32
    %dma_start3A_57 = tpu.memref_slice %arg3[%select_n3A_7, %dma_start3A_55, %dma_start3A_56] : memref<2x64x4096xf32, #tpu.memory_space<vmem>> -> memref<1x64x2048xf32, #tpu.memory_space<vmem>>
    %dma_start3A_58 = tpu.memref_squeeze %dma_start3A_57 : memref<1x64x2048xf32, #tpu.memory_space<vmem>> -> memref<64x2048xf32, #tpu.memory_space<vmem>>
    tpu.enqueue_dma source(%dma_start3A_58 : memref<64x2048xf32, #tpu.memory_space<vmem>>) target(%dma_start3A_54 : memref<64x2048xf32, #tpu.memory_space<hbm>>) target_semaphore(%dma_start3A_50 : memref<!tpu.dma_semaphore, #tpu.memory_space<semaphore_mem>>)
    %sub3A_59 = arith.constant 127 : i32
    %sub3A_60 = arith.subi %sub3A_59, %arg0 : i32
    %add3A_61 = arith.constant 384 : i32
    %add3A_62 = arith.addi %sub3A_60, %add3A_61 : i32
    %dma_start3A_63 = tpu.memref_slice %arg4[%select_n3A_7] : memref<2x!tpu.dma_semaphore, #tpu.memory_space<semaphore_mem>> -> memref<1x!tpu.dma_semaphore, #tpu.memory_space<semaphore_mem>>
    %dma_start3A_64 = tpu.memref_squeeze %dma_start3A_63 : memref<1x!tpu.dma_semaphore, #tpu.memory_space<semaphore_mem>> -> memref<!tpu.dma_semaphore, #tpu.memory_space<semaphore_mem>>
    %dma_start3A_65 = arith.constant 0 : i32
    %dma_start3A_66 = arith.constant 0 : i32
    %dma_start3A_67 = tpu.memref_slice %arg2[%add3A_62, %dma_start3A_65, %dma_start3A_66] : memref<2048x64x2048xf32, #tpu.memory_space<hbm>> -> memref<1x64x2048xf32, #tpu.memory_space<hbm>>
    %dma_start3A_68 = tpu.memref_squeeze %dma_start3A_67 : memref<1x64x2048xf32, #tpu.memory_space<hbm>> -> memref<64x2048xf32, #tpu.memory_space<hbm>>
    %dma_start3A_69 = arith.constant 0 : i32
    %dma_start3A_70 = arith.constant 1536 : i32
    %dma_start3A_71 = tpu.memref_slice %arg3[%select_n3A_7, %dma_start3A_69, %dma_start3A_70] : memref<2x64x4096xf32, #tpu.memory_space<vmem>> -> memref<1x64x2048xf32, #tpu.memory_space<vmem>>
    %dma_start3A_72 = tpu.memref_squeeze %dma_start3A_71 : memref<1x64x2048xf32, #tpu.memory_space<vmem>> -> memref<64x2048xf32, #tpu.memory_space<vmem>>
    tpu.enqueue_dma source(%dma_start3A_72 : memref<64x2048xf32, #tpu.memory_space<vmem>>) target(%dma_start3A_68 : memref<64x2048xf32, #tpu.memory_space<hbm>>) target_semaphore(%dma_start3A_64 : memref<!tpu.dma_semaphore, #tpu.memory_space<semaphore_mem>>)
    %sub3A_73 = arith.constant 127 : i32
    %sub3A_74 = arith.subi %sub3A_73, %arg0 : i32
    %add3A_75 = arith.constant 512 : i32
    %add3A_76 = arith.addi %sub3A_74, %add3A_75 : i32
    %dma_start3A_77 = tpu.memref_slice %arg4[%select_n3A_7] : memref<2x!tpu.dma_semaphore, #tpu.memory_space<semaphore_mem>> -> memref<1x!tpu.dma_semaphore, #tpu.memory_space<semaphore_mem>>
    %dma_start3A_78 = tpu.memref_squeeze %dma_start3A_77 : memref<1x!tpu.dma_semaphore, #tpu.memory_space<semaphore_mem>> -> memref<!tpu.dma_semaphore, #tpu.memory_space<semaphore_mem>>
    %dma_start3A_79 = arith.constant 0 : i32
    %dma_start3A_80 = arith.constant 0 : i32
    %dma_start3A_81 = tpu.memref_slice %arg2[%add3A_76, %dma_start3A_79, %dma_start3A_80] : memref<2048x64x2048xf32, #tpu.memory_space<hbm>> -> memref<1x64x2048xf32, #tpu.memory_space<hbm>>
    %dma_start3A_82 = tpu.memref_squeeze %dma_start3A_81 : memref<1x64x2048xf32, #tpu.memory_space<hbm>> -> memref<64x2048xf32, #tpu.memory_space<hbm>>
    %dma_start3A_83 = arith.constant 0 : i32
    %dma_start3A_84 = arith.constant 1408 : i32
    %dma_start3A_85 = tpu.memref_slice %arg3[%select_n3A_7, %dma_start3A_83, %dma_start3A_84] : memref<2x64x4096xf32, #tpu.memory_space<vmem>> -> memref<1x64x2048xf32, #tpu.memory_space<vmem>>
    %dma_start3A_86 = tpu.memref_squeeze %dma_start3A_85 : memref<1x64x2048xf32, #tpu.memory_space<vmem>> -> memref<64x2048xf32, #tpu.memory_space<vmem>>
    tpu.enqueue_dma source(%dma_start3A_86 : memref<64x2048xf32, #tpu.memory_space<vmem>>) target(%dma_start3A_82 : memref<64x2048xf32, #tpu.memory_space<hbm>>) target_semaphore(%dma_start3A_78 : memref<!tpu.dma_semaphore, #tpu.memory_space<semaphore_mem>>)
    %sub3A_87 = arith.constant 127 : i32
    %sub3A_88 = arith.subi %sub3A_87, %arg0 : i32
    %add3A_89 = arith.constant 640 : i32
    %add3A_90 = arith.addi %sub3A_88, %add3A_89 : i32
    %dma_start3A_91 = tpu.memref_slice %arg4[%select_n3A_7] : memref<2x!tpu.dma_semaphore, #tpu.memory_space<semaphore_mem>> -> memref<1x!tpu.dma_semaphore, #tpu.memory_space<semaphore_mem>>
    %dma_start3A_92 = tpu.memref_squeeze %dma_start3A_91 : memref<1x!tpu.dma_semaphore, #tpu.memory_space<semaphore_mem>> -> memref<!tpu.dma_semaphore, #tpu.memory_space<semaphore_mem>>
    %dma_start3A_93 = arith.constant 0 : i32
    %dma_start3A_94 = arith.constant 0 : i32
    %dma_start3A_95 = tpu.memref_slice %arg2[%add3A_90, %dma_start3A_93, %dma_start3A_94] : memref<2048x64x2048xf32, #tpu.memory_space<hbm>> -> memref<1x64x2048xf32, #tpu.memory_space<hbm>>
    %dma_start3A_96 = tpu.memref_squeeze %dma_start3A_95 : memref<1x64x2048xf32, #tpu.memory_space<hbm>> -> memref<64x2048xf32, #tpu.memory_space<hbm>>
    %dma_start3A_97 = arith.constant 0 : i32
    %dma_start3A_98 = arith.constant 1280 : i32
    %dma_start3A_99 = tpu.memref_slice %arg3[%select_n3A_7, %dma_start3A_97, %dma_start3A_98] : memref<2x64x4096xf32, #tpu.memory_space<vmem>> -> memref<1x64x2048xf32, #tpu.memory_space<vmem>>
    %dma_start3A_100 = tpu.memref_squeeze %dma_start3A_99 : memref<1x64x2048xf32, #tpu.memory_space<vmem>> -> memref<64x2048xf32, #tpu.memory_space<vmem>>
    tpu.enqueue_dma source(%dma_start3A_100 : memref<64x2048xf32, #tpu.memory_space<vmem>>) target(%dma_start3A_96 : memref<64x2048xf32, #tpu.memory_space<hbm>>) target_semaphore(%dma_start3A_92 : memref<!tpu.dma_semaphore, #tpu.memory_space<semaphore_mem>>)
    %sub3A_101 = arith.constant 127 : i32
    %sub3A_102 = arith.subi %sub3A_101, %arg0 : i32
    %add3A_103 = arith.constant 768 : i32
    %add3A_104 = arith.addi %sub3A_102, %add3A_103 : i32
    %dma_start3A_105 = tpu.memref_slice %arg4[%select_n3A_7] : memref<2x!tpu.dma_semaphore, #tpu.memory_space<semaphore_mem>> -> memref<1x!tpu.dma_semaphore, #tpu.memory_space<semaphore_mem>>
    %dma_start3A_106 = tpu.memref_squeeze %dma_start3A_105 : memref<1x!tpu.dma_semaphore, #tpu.memory_space<semaphore_mem>> -> memref<!tpu.dma_semaphore, #tpu.memory_space<semaphore_mem>>
    %dma_start3A_107 = arith.constant 0 : i32
    %dma_start3A_108 = arith.constant 0 : i32
    %dma_start3A_109 = tpu.memref_slice %arg2[%add3A_104, %dma_start3A_107, %dma_start3A_108] : memref<2048x64x2048xf32, #tpu.memory_space<hbm>> -> memref<1x64x2048xf32, #tpu.memory_space<hbm>>
    %dma_start3A_110 = tpu.memref_squeeze %dma_start3A_109 : memref<1x64x2048xf32, #tpu.memory_space<hbm>> -> memref<64x2048xf32, #tpu.memory_space<hbm>>
    %dma_start3A_111 = arith.constant 0 : i32
    %dma_start3A_112 = arith.constant 1152 : i32
    %dma_start3A_113 = tpu.memref_slice %arg3[%select_n3A_7, %dma_start3A_111, %dma_start3A_112] : memref<2x64x4096xf32, #tpu.memory_space<vmem>> -> memref<1x64x2048xf32, #tpu.memory_space<vmem>>
    %dma_start3A_114 = tpu.memref_squeeze %dma_start3A_113 : memref<1x64x2048xf32, #tpu.memory_space<vmem>> -> memref<64x2048xf32, #tpu.memory_space<vmem>>
    tpu.enqueue_dma source(%dma_start3A_114 : memref<64x2048xf32, #tpu.memory_space<vmem>>) target(%dma_start3A_110 : memref<64x2048xf32, #tpu.memory_space<hbm>>) target_semaphore(%dma_start3A_106 : memref<!tpu.dma_semaphore, #tpu.memory_space<semaphore_mem>>)
    %sub3A_115 = arith.constant 127 : i32
    %sub3A_116 = arith.subi %sub3A_115, %arg0 : i32
    %add3A_117 = arith.constant 896 : i32
    %add3A_118 = arith.addi %sub3A_116, %add3A_117 : i32
    %dma_start3A_119 = tpu.memref_slice %arg4[%select_n3A_7] : memref<2x!tpu.dma_semaphore, #tpu.memory_space<semaphore_mem>> -> memref<1x!tpu.dma_semaphore, #tpu.memory_space<semaphore_mem>>
    %dma_start3A_120 = tpu.memref_squeeze %dma_start3A_119 : memref<1x!tpu.dma_semaphore, #tpu.memory_space<semaphore_mem>> -> memref<!tpu.dma_semaphore, #tpu.memory_space<semaphore_mem>>
    %dma_start3A_121 = arith.constant 0 : i32
    %dma_start3A_122 = arith.constant 0 : i32
    %dma_start3A_123 = tpu.memref_slice %arg2[%add3A_118, %dma_start3A_121, %dma_start3A_122] : memref<2048x64x2048xf32, #tpu.memory_space<hbm>> -> memref<1x64x2048xf32, #tpu.memory_space<hbm>>
    %dma_start3A_124 = tpu.memref_squeeze %dma_start3A_123 : memref<1x64x2048xf32, #tpu.memory_space<hbm>> -> memref<64x2048xf32, #tpu.memory_space<hbm>>
    %dma_start3A_125 = arith.constant 0 : i32
    %dma_start3A_126 = arith.constant 1024 : i32
    %dma_start3A_127 = tpu.memref_slice %arg3[%select_n3A_7, %dma_start3A_125, %dma_start3A_126] : memref<2x64x4096xf32, #tpu.memory_space<vmem>> -> memref<1x64x2048xf32, #tpu.memory_space<vmem>>
    %dma_start3A_128 = tpu.memref_squeeze %dma_start3A_127 : memref<1x64x2048xf32, #tpu.memory_space<vmem>> -> memref<64x2048xf32, #tpu.memory_space<vmem>>
    tpu.enqueue_dma source(%dma_start3A_128 : memref<64x2048xf32, #tpu.memory_space<vmem>>) target(%dma_start3A_124 : memref<64x2048xf32, #tpu.memory_space<hbm>>) target_semaphore(%dma_start3A_120 : memref<!tpu.dma_semaphore, #tpu.memory_space<semaphore_mem>>)
    %sub3A_129 = arith.constant 127 : i32
    %sub3A_130 = arith.subi %sub3A_129, %arg0 : i32
    %add3A_131 = arith.constant 1024 : i32
    %add3A_132 = arith.addi %sub3A_130, %add3A_131 : i32
    %dma_start3A_133 = tpu.memref_slice %arg4[%select_n3A_7] : memref<2x!tpu.dma_semaphore, #tpu.memory_space<semaphore_mem>> -> memref<1x!tpu.dma_semaphore, #tpu.memory_space<semaphore_mem>>
    %dma_start3A_134 = tpu.memref_squeeze %dma_start3A_133 : memref<1x!tpu.dma_semaphore, #tpu.memory_space<semaphore_mem>> -> memref<!tpu.dma_semaphore, #tpu.memory_space<semaphore_mem>>
    %dma_start3A_135 = arith.constant 0 : i32
    %dma_start3A_136 = arith.constant 0 : i32
    %dma_start3A_137 = tpu.memref_slice %arg2[%add3A_132, %dma_start3A_135, %dma_start3A_136] : memref<2048x64x2048xf32, #tpu.memory_space<hbm>> -> memref<1x64x2048xf32, #tpu.memory_space<hbm>>
    %dma_start3A_138 = tpu.memref_squeeze %dma_start3A_137 : memref<1x64x2048xf32, #tpu.memory_space<hbm>> -> memref<64x2048xf32, #tpu.memory_space<hbm>>
    %dma_start3A_139 = arith.constant 0 : i32
    %dma_start3A_140 = arith.constant 896 : i32
    %dma_start3A_141 = tpu.memref_slice %arg3[%select_n3A_7, %dma_start3A_139, %dma_start3A_140] : memref<2x64x4096xf32, #tpu.memory_space<vmem>> -> memref<1x64x2048xf32, #tpu.memory_space<vmem>>
    %dma_start3A_142 = tpu.memref_squeeze %dma_start3A_141 : memref<1x64x2048xf32, #tpu.memory_space<vmem>> -> memref<64x2048xf32, #tpu.memory_space<vmem>>
    tpu.enqueue_dma source(%dma_start3A_142 : memref<64x2048xf32, #tpu.memory_space<vmem>>) target(%dma_start3A_138 : memref<64x2048xf32, #tpu.memory_space<hbm>>) target_semaphore(%dma_start3A_134 : memref<!tpu.dma_semaphore, #tpu.memory_space<semaphore_mem>>)
    %sub3A_143 = arith.constant 127 : i32
    %sub3A_144 = arith.subi %sub3A_143, %arg0 : i32
    %add3A_145 = arith.constant 1152 : i32
    %add3A_146 = arith.addi %sub3A_144, %add3A_145 : i32
    %dma_start3A_147 = tpu.memref_slice %arg4[%select_n3A_7] : memref<2x!tpu.dma_semaphore, #tpu.memory_space<semaphore_mem>> -> memref<1x!tpu.dma_semaphore, #tpu.memory_space<semaphore_mem>>
    %dma_start3A_148 = tpu.memref_squeeze %dma_start3A_147 : memref<1x!tpu.dma_semaphore, #tpu.memory_space<semaphore_mem>> -> memref<!tpu.dma_semaphore, #tpu.memory_space<semaphore_mem>>
    %dma_start3A_149 = arith.constant 0 : i32
    %dma_start3A_150 = arith.constant 0 : i32
    %dma_start3A_151 = tpu.memref_slice %arg2[%add3A_146, %dma_start3A_149, %dma_start3A_150] : memref<2048x64x2048xf32, #tpu.memory_space<hbm>> -> memref<1x64x2048xf32, #tpu.memory_space<hbm>>
    %dma_start3A_152 = tpu.memref_squeeze %dma_start3A_151 : memref<1x64x2048xf32, #tpu.memory_space<hbm>> -> memref<64x2048xf32, #tpu.memory_space<hbm>>
    %dma_start3A_153 = arith.constant 0 : i32
    %dma_start3A_154 = arith.constant 768 : i32
    %dma_start3A_155 = tpu.memref_slice %arg3[%select_n3A_7, %dma_start3A_153, %dma_start3A_154] : memref<2x64x4096xf32, #tpu.memory_space<vmem>> -> memref<1x64x2048xf32, #tpu.memory_space<vmem>>
    %dma_start3A_156 = tpu.memref_squeeze %dma_start3A_155 : memref<1x64x2048xf32, #tpu.memory_space<vmem>> -> memref<64x2048xf32, #tpu.memory_space<vmem>>
    tpu.enqueue_dma source(%dma_start3A_156 : memref<64x2048xf32, #tpu.memory_space<vmem>>) target(%dma_start3A_152 : memref<64x2048xf32, #tpu.memory_space<hbm>>) target_semaphore(%dma_start3A_148 : memref<!tpu.dma_semaphore, #tpu.memory_space<semaphore_mem>>)
    %sub3A_157 = arith.constant 127 : i32
    %sub3A_158 = arith.subi %sub3A_157, %arg0 : i32
    %add3A_159 = arith.constant 1280 : i32
    %add3A_160 = arith.addi %sub3A_158, %add3A_159 : i32
    %dma_start3A_161 = tpu.memref_slice %arg4[%select_n3A_7] : memref<2x!tpu.dma_semaphore, #tpu.memory_space<semaphore_mem>> -> memref<1x!tpu.dma_semaphore, #tpu.memory_space<semaphore_mem>>
    %dma_start3A_162 = tpu.memref_squeeze %dma_start3A_161 : memref<1x!tpu.dma_semaphore, #tpu.memory_space<semaphore_mem>> -> memref<!tpu.dma_semaphore, #tpu.memory_space<semaphore_mem>>
    %dma_start3A_163 = arith.constant 0 : i32
    %dma_start3A_164 = arith.constant 0 : i32
    %dma_start3A_165 = tpu.memref_slice %arg2[%add3A_160, %dma_start3A_163, %dma_start3A_164] : memref<2048x64x2048xf32, #tpu.memory_space<hbm>> -> memref<1x64x2048xf32, #tpu.memory_space<hbm>>
    %dma_start3A_166 = tpu.memref_squeeze %dma_start3A_165 : memref<1x64x2048xf32, #tpu.memory_space<hbm>> -> memref<64x2048xf32, #tpu.memory_space<hbm>>
    %dma_start3A_167 = arith.constant 0 : i32
    %dma_start3A_168 = arith.constant 640 : i32
    %dma_start3A_169 = tpu.memref_slice %arg3[%select_n3A_7, %dma_start3A_167, %dma_start3A_168] : memref<2x64x4096xf32, #tpu.memory_space<vmem>> -> memref<1x64x2048xf32, #tpu.memory_space<vmem>>
    %dma_start3A_170 = tpu.memref_squeeze %dma_start3A_169 : memref<1x64x2048xf32, #tpu.memory_space<vmem>> -> memref<64x2048xf32, #tpu.memory_space<vmem>>
    tpu.enqueue_dma source(%dma_start3A_170 : memref<64x2048xf32, #tpu.memory_space<vmem>>) target(%dma_start3A_166 : memref<64x2048xf32, #tpu.memory_space<hbm>>) target_semaphore(%dma_start3A_162 : memref<!tpu.dma_semaphore, #tpu.memory_space<semaphore_mem>>)
    %sub3A_171 = arith.constant 127 : i32
    %sub3A_172 = arith.subi %sub3A_171, %arg0 : i32
    %add3A_173 = arith.constant 1408 : i32
    %add3A_174 = arith.addi %sub3A_172, %add3A_173 : i32
    %dma_start3A_175 = tpu.memref_slice %arg4[%select_n3A_7] : memref<2x!tpu.dma_semaphore, #tpu.memory_space<semaphore_mem>> -> memref<1x!tpu.dma_semaphore, #tpu.memory_space<semaphore_mem>>
    %dma_start3A_176 = tpu.memref_squeeze %dma_start3A_175 : memref<1x!tpu.dma_semaphore, #tpu.memory_space<semaphore_mem>> -> memref<!tpu.dma_semaphore, #tpu.memory_space<semaphore_mem>>
    %dma_start3A_177 = arith.constant 0 : i32
    %dma_start3A_178 = arith.constant 0 : i32
    %dma_start3A_179 = tpu.memref_slice %arg2[%add3A_174, %dma_start3A_177, %dma_start3A_178] : memref<2048x64x2048xf32, #tpu.memory_space<hbm>> -> memref<1x64x2048xf32, #tpu.memory_space<hbm>>
    %dma_start3A_180 = tpu.memref_squeeze %dma_start3A_179 : memref<1x64x2048xf32, #tpu.memory_space<hbm>> -> memref<64x2048xf32, #tpu.memory_space<hbm>>
    %dma_start3A_181 = arith.constant 0 : i32
    %dma_start3A_182 = arith.constant 512 : i32
    %dma_start3A_183 = tpu.memref_slice %arg3[%select_n3A_7, %dma_start3A_181, %dma_start3A_182] : memref<2x64x4096xf32, #tpu.memory_space<vmem>> -> memref<1x64x2048xf32, #tpu.memory_space<vmem>>
    %dma_start3A_184 = tpu.memref_squeeze %dma_start3A_183 : memref<1x64x2048xf32, #tpu.memory_space<vmem>> -> memref<64x2048xf32, #tpu.memory_space<vmem>>
    tpu.enqueue_dma source(%dma_start3A_184 : memref<64x2048xf32, #tpu.memory_space<vmem>>) target(%dma_start3A_180 : memref<64x2048xf32, #tpu.memory_space<hbm>>) target_semaphore(%dma_start3A_176 : memref<!tpu.dma_semaphore, #tpu.memory_space<semaphore_mem>>)
    %sub3A_185 = arith.constant 127 : i32
    %sub3A_186 = arith.subi %sub3A_185, %arg0 : i32
    %add3A_187 = arith.constant 1536 : i32
    %add3A_188 = arith.addi %sub3A_186, %add3A_187 : i32
    %dma_start3A_189 = tpu.memref_slice %arg4[%select_n3A_7] : memref<2x!tpu.dma_semaphore, #tpu.memory_space<semaphore_mem>> -> memref<1x!tpu.dma_semaphore, #tpu.memory_space<semaphore_mem>>
    %dma_start3A_190 = tpu.memref_squeeze %dma_start3A_189 : memref<1x!tpu.dma_semaphore, #tpu.memory_space<semaphore_mem>> -> memref<!tpu.dma_semaphore, #tpu.memory_space<semaphore_mem>>
    %dma_start3A_191 = arith.constant 0 : i32
    %dma_start3A_192 = arith.constant 0 : i32
    %dma_start3A_193 = tpu.memref_slice %arg2[%add3A_188, %dma_start3A_191, %dma_start3A_192] : memref<2048x64x2048xf32, #tpu.memory_space<hbm>> -> memref<1x64x2048xf32, #tpu.memory_space<hbm>>
    %dma_start3A_194 = tpu.memref_squeeze %dma_start3A_193 : memref<1x64x2048xf32, #tpu.memory_space<hbm>> -> memref<64x2048xf32, #tpu.memory_space<hbm>>
    %dma_start3A_195 = arith.constant 0 : i32
    %dma_start3A_196 = arith.constant 384 : i32
    %dma_start3A_197 = tpu.memref_slice %arg3[%select_n3A_7, %dma_start3A_195, %dma_start3A_196] : memref<2x64x4096xf32, #tpu.memory_space<vmem>> -> memref<1x64x2048xf32, #tpu.memory_space<vmem>>
    %dma_start3A_198 = tpu.memref_squeeze %dma_start3A_197 : memref<1x64x2048xf32, #tpu.memory_space<vmem>> -> memref<64x2048xf32, #tpu.memory_space<vmem>>
    tpu.enqueue_dma source(%dma_start3A_198 : memref<64x2048xf32, #tpu.memory_space<vmem>>) target(%dma_start3A_194 : memref<64x2048xf32, #tpu.memory_space<hbm>>) target_semaphore(%dma_start3A_190 : memref<!tpu.dma_semaphore, #tpu.memory_space<semaphore_mem>>)
    %sub3A_199 = arith.constant 127 : i32
    %sub3A_200 = arith.subi %sub3A_199, %arg0 : i32
    %add3A_201 = arith.constant 1664 : i32
    %add3A_202 = arith.addi %sub3A_200, %add3A_201 : i32
    %dma_start3A_203 = tpu.memref_slice %arg4[%select_n3A_7] : memref<2x!tpu.dma_semaphore, #tpu.memory_space<semaphore_mem>> -> memref<1x!tpu.dma_semaphore, #tpu.memory_space<semaphore_mem>>
    %dma_start3A_204 = tpu.memref_squeeze %dma_start3A_203 : memref<1x!tpu.dma_semaphore, #tpu.memory_space<semaphore_mem>> -> memref<!tpu.dma_semaphore, #tpu.memory_space<semaphore_mem>>
    %dma_start3A_205 = arith.constant 0 : i32
    %dma_start3A_206 = arith.constant 0 : i32
    %dma_start3A_207 = tpu.memref_slice %arg2[%add3A_202, %dma_start3A_205, %dma_start3A_206] : memref<2048x64x2048xf32, #tpu.memory_space<hbm>> -> memref<1x64x2048xf32, #tpu.memory_space<hbm>>
    %dma_start3A_208 = tpu.memref_squeeze %dma_start3A_207 : memref<1x64x2048xf32, #tpu.memory_space<hbm>> -> memref<64x2048xf32, #tpu.memory_space<hbm>>
    %dma_start3A_209 = arith.constant 0 : i32
    %dma_start3A_210 = arith.constant 256 : i32
    %dma_start3A_211 = tpu.memref_slice %arg3[%select_n3A_7, %dma_start3A_209, %dma_start3A_210] : memref<2x64x4096xf32, #tpu.memory_space<vmem>> -> memref<1x64x2048xf32, #tpu.memory_space<vmem>>
    %dma_start3A_212 = tpu.memref_squeeze %dma_start3A_211 : memref<1x64x2048xf32, #tpu.memory_space<vmem>> -> memref<64x2048xf32, #tpu.memory_space<vmem>>
    tpu.enqueue_dma source(%dma_start3A_212 : memref<64x2048xf32, #tpu.memory_space<vmem>>) target(%dma_start3A_208 : memref<64x2048xf32, #tpu.memory_space<hbm>>) target_semaphore(%dma_start3A_204 : memref<!tpu.dma_semaphore, #tpu.memory_space<semaphore_mem>>)
    %sub3A_213 = arith.constant 127 : i32
    %sub3A_214 = arith.subi %sub3A_213, %arg0 : i32
    %add3A_215 = arith.constant 1792 : i32
    %add3A_216 = arith.addi %sub3A_214, %add3A_215 : i32
    %dma_start3A_217 = tpu.memref_slice %arg4[%select_n3A_7] : memref<2x!tpu.dma_semaphore, #tpu.memory_space<semaphore_mem>> -> memref<1x!tpu.dma_semaphore, #tpu.memory_space<semaphore_mem>>
    %dma_start3A_218 = tpu.memref_squeeze %dma_start3A_217 : memref<1x!tpu.dma_semaphore, #tpu.memory_space<semaphore_mem>> -> memref<!tpu.dma_semaphore, #tpu.memory_space<semaphore_mem>>
    %dma_start3A_219 = arith.constant 0 : i32
    %dma_start3A_220 = arith.constant 0 : i32
    %dma_start3A_221 = tpu.memref_slice %arg2[%add3A_216, %dma_start3A_219, %dma_start3A_220] : memref<2048x64x2048xf32, #tpu.memory_space<hbm>> -> memref<1x64x2048xf32, #tpu.memory_space<hbm>>
    %dma_start3A_222 = tpu.memref_squeeze %dma_start3A_221 : memref<1x64x2048xf32, #tpu.memory_space<hbm>> -> memref<64x2048xf32, #tpu.memory_space<hbm>>
    %dma_start3A_223 = arith.constant 0 : i32
    %dma_start3A_224 = arith.constant 128 : i32
    %dma_start3A_225 = tpu.memref_slice %arg3[%select_n3A_7, %dma_start3A_223, %dma_start3A_224] : memref<2x64x4096xf32, #tpu.memory_space<vmem>> -> memref<1x64x2048xf32, #tpu.memory_space<vmem>>
    %dma_start3A_226 = tpu.memref_squeeze %dma_start3A_225 : memref<1x64x2048xf32, #tpu.memory_space<vmem>> -> memref<64x2048xf32, #tpu.memory_space<vmem>>
    tpu.enqueue_dma source(%dma_start3A_226 : memref<64x2048xf32, #tpu.memory_space<vmem>>) target(%dma_start3A_222 : memref<64x2048xf32, #tpu.memory_space<hbm>>) target_semaphore(%dma_start3A_218 : memref<!tpu.dma_semaphore, #tpu.memory_space<semaphore_mem>>)
    %sub3A_227 = arith.constant 127 : i32
    %sub3A_228 = arith.subi %sub3A_227, %arg0 : i32
    %add3A_229 = arith.constant 1920 : i32
    %add3A_230 = arith.addi %sub3A_228, %add3A_229 : i32
    %dma_start3A_231 = tpu.memref_slice %arg4[%select_n3A_7] : memref<2x!tpu.dma_semaphore, #tpu.memory_space<semaphore_mem>> -> memref<1x!tpu.dma_semaphore, #tpu.memory_space<semaphore_mem>>
    %dma_start3A_232 = tpu.memref_squeeze %dma_start3A_231 : memref<1x!tpu.dma_semaphore, #tpu.memory_space<semaphore_mem>> -> memref<!tpu.dma_semaphore, #tpu.memory_space<semaphore_mem>>
    %dma_start3A_233 = arith.constant 0 : i32
    %dma_start3A_234 = arith.constant 0 : i32
    %dma_start3A_235 = tpu.memref_slice %arg2[%add3A_230, %dma_start3A_233, %dma_start3A_234] : memref<2048x64x2048xf32, #tpu.memory_space<hbm>> -> memref<1x64x2048xf32, #tpu.memory_space<hbm>>
    %dma_start3A_236 = tpu.memref_squeeze %dma_start3A_235 : memref<1x64x2048xf32, #tpu.memory_space<hbm>> -> memref<64x2048xf32, #tpu.memory_space<hbm>>
    %dma_start3A_237 = arith.constant 0 : i32
    %dma_start3A_238 = arith.constant 0 : i32
    %dma_start3A_239 = tpu.memref_slice %arg3[%select_n3A_7, %dma_start3A_237, %dma_start3A_238] : memref<2x64x4096xf32, #tpu.memory_space<vmem>> -> memref<1x64x2048xf32, #tpu.memory_space<vmem>>
    %dma_start3A_240 = tpu.memref_squeeze %dma_start3A_239 : memref<1x64x2048xf32, #tpu.memory_space<vmem>> -> memref<64x2048xf32, #tpu.memory_space<vmem>>
    tpu.enqueue_dma source(%dma_start3A_240 : memref<64x2048xf32, #tpu.memory_space<vmem>>) target(%dma_start3A_236 : memref<64x2048xf32, #tpu.memory_space<hbm>>) target_semaphore(%dma_start3A_232 : memref<!tpu.dma_semaphore, #tpu.memory_space<semaphore_mem>>)
    %eq3A_241 = arith.constant 127 : i32
    %eq3A_242 = arith.cmpi eq, %arg0, %eq3A_241 : i32
    %convert_element_type3A_243 = arith.extui %eq3A_242 : i1 to i32
    %cond3A_244 = arith.constant 0 : i32
    %cond3A_245 = arith.cmpi ne, %convert_element_type3A_243, %cond3A_244 : i32
    scf.if %cond3A_245 {
      %dma_wait3A = arith.constant 0 : i32
      %dma_wait3A_246 = arith.constant 0 : i32
      %dma_wait3A_247 = arith.constant 0 : i32
      %dma_wait3A_248 = tpu.memref_slice %arg4[%dma_wait3A_247] : memref<2x!tpu.dma_semaphore, #tpu.memory_space<semaphore_mem>> -> memref<1x!tpu.dma_semaphore, #tpu.memory_space<semaphore_mem>>
      %dma_wait3A_249 = tpu.memref_squeeze %dma_wait3A_248 : memref<1x!tpu.dma_semaphore, #tpu.memory_space<semaphore_mem>> -> memref<!tpu.dma_semaphore, #tpu.memory_space<semaphore_mem>>
      %dma_wait3A_250 = arith.constant 0 : i32
      %dma_wait3A_251 = arith.constant 0 : i32
      %dma_wait3A_252 = tpu.memref_slice %arg2[%dma_wait3A_246, %dma_wait3A_250, %dma_wait3A_251] : memref<2048x64x2048xf32, #tpu.memory_space<hbm>> -> memref<1x64x2048xf32, #tpu.memory_space<hbm>>
      %dma_wait3A_253 = tpu.memref_squeeze %dma_wait3A_252 : memref<1x64x2048xf32, #tpu.memory_space<hbm>> -> memref<64x2048xf32, #tpu.memory_space<hbm>>
      %dma_wait3A_254 = arith.constant 0 : i32
      %dma_wait3A_255 = arith.constant 0 : i32
      %dma_wait3A_256 = tpu.memref_slice %arg3[%dma_wait3A, %dma_wait3A_254, %dma_wait3A_255] : memref<2x64x4096xf32, #tpu.memory_space<vmem>> -> memref<1x64x2048xf32, #tpu.memory_space<vmem>>
      %dma_wait3A_257 = tpu.memref_squeeze %dma_wait3A_256 : memref<1x64x2048xf32, #tpu.memory_space<vmem>> -> memref<64x2048xf32, #tpu.memory_space<vmem>>
      tpu.wait_dma2 semaphore(%dma_wait3A_249 : memref<!tpu.dma_semaphore, #tpu.memory_space<semaphore_mem>>) src(%dma_wait3A_257 : memref<64x2048xf32, #tpu.memory_space<vmem>>) dst(%dma_wait3A_253 : memref<64x2048xf32, #tpu.memory_space<hbm>>)
      %dma_wait3A_258 = arith.constant 0 : i32
      %dma_wait3A_259 = arith.constant 0 : i32
      %dma_wait3A_260 = arith.constant 0 : i32
      %dma_wait3A_261 = tpu.memref_slice %arg4[%dma_wait3A_260] : memref<2x!tpu.dma_semaphore, #tpu.memory_space<semaphore_mem>> -> memref<1x!tpu.dma_semaphore, #tpu.memory_space<semaphore_mem>>
      %dma_wait3A_262 = tpu.memref_squeeze %dma_wait3A_261 : memref<1x!tpu.dma_semaphore, #tpu.memory_space<semaphore_mem>> -> memref<!tpu.dma_semaphore, #tpu.memory_space<semaphore_mem>>
      %dma_wait3A_263 = arith.constant 0 : i32
      %dma_wait3A_264 = arith.constant 0 : i32
      %dma_wait3A_265 = tpu.memref_slice %arg2[%dma_wait3A_259, %dma_wait3A_263, %dma_wait3A_264] : memref<2048x64x2048xf32, #tpu.memory_space<hbm>> -> memref<1x64x2048xf32, #tpu.memory_space<hbm>>
      %dma_wait3A_266 = tpu.memref_squeeze %dma_wait3A_265 : memref<1x64x2048xf32, #tpu.memory_space<hbm>> -> memref<64x2048xf32, #tpu.memory_space<hbm>>
      %dma_wait3A_267 = arith.constant 0 : i32
      %dma_wait3A_268 = arith.constant 0 : i32
      %dma_wait3A_269 = tpu.memref_slice %arg3[%dma_wait3A_258, %dma_wait3A_267, %dma_wait3A_268] : memref<2x64x4096xf32, #tpu.memory_space<vmem>> -> memref<1x64x2048xf32, #tpu.memory_space<vmem>>
      %dma_wait3A_270 = tpu.memref_squeeze %dma_wait3A_269 : memref<1x64x2048xf32, #tpu.memory_space<vmem>> -> memref<64x2048xf32, #tpu.memory_space<vmem>>
      tpu.wait_dma2 semaphore(%dma_wait3A_262 : memref<!tpu.dma_semaphore, #tpu.memory_space<semaphore_mem>>) src(%dma_wait3A_270 : memref<64x2048xf32, #tpu.memory_space<vmem>>) dst(%dma_wait3A_266 : memref<64x2048xf32, #tpu.memory_space<hbm>>)
      %dma_wait3A_271 = arith.constant 0 : i32
      %dma_wait3A_272 = arith.constant 0 : i32
      %dma_wait3A_273 = arith.constant 0 : i32
      %dma_wait3A_274 = tpu.memref_slice %arg4[%dma_wait3A_273] : memref<2x!tpu.dma_semaphore, #tpu.memory_space<semaphore_mem>> -> memref<1x!tpu.dma_semaphore, #tpu.memory_space<semaphore_mem>>
      %dma_wait3A_275 = tpu.memref_squeeze %dma_wait3A_274 : memref<1x!tpu.dma_semaphore, #tpu.memory_space<semaphore_mem>> -> memref<!tpu.dma_semaphore, #tpu.memory_space<semaphore_mem>>
      %dma_wait3A_276 = arith.constant 0 : i32
      %dma_wait3A_277 = arith.constant 0 : i32
      %dma_wait3A_278 = tpu.memref_slice %arg2[%dma_wait3A_272, %dma_wait3A_276, %dma_wait3A_277] : memref<2048x64x2048xf32, #tpu.memory_space<hbm>> -> memref<1x64x2048xf32, #tpu.memory_space<hbm>>
      %dma_wait3A_279 = tpu.memref_squeeze %dma_wait3A_278 : memref<1x64x2048xf32, #tpu.memory_space<hbm>> -> memref<64x2048xf32, #tpu.memory_space<hbm>>
      %dma_wait3A_280 = arith.constant 0 : i32
      %dma_wait3A_281 = arith.constant 0 : i32
      %dma_wait3A_282 = tpu.memref_slice %arg3[%dma_wait3A_271, %dma_wait3A_280, %dma_wait3A_281] : memref<2x64x4096xf32, #tpu.memory_space<vmem>> -> memref<1x64x2048xf32, #tpu.memory_space<vmem>>
      %dma_wait3A_283 = tpu.memref_squeeze %dma_wait3A_282 : memref<1x64x2048xf32, #tpu.memory_space<vmem>> -> memref<64x2048xf32, #tpu.memory_space<vmem>>
      tpu.wait_dma2 semaphore(%dma_wait3A_275 : memref<!tpu.dma_semaphore, #tpu.memory_space<semaphore_mem>>) src(%dma_wait3A_283 : memref<64x2048xf32, #tpu.memory_space<vmem>>) dst(%dma_wait3A_279 : memref<64x2048xf32, #tpu.memory_space<hbm>>)
      %dma_wait3A_284 = arith.constant 0 : i32
      %dma_wait3A_285 = arith.constant 0 : i32
      %dma_wait3A_286 = arith.constant 0 : i32
      %dma_wait3A_287 = tpu.memref_slice %arg4[%dma_wait3A_286] : memref<2x!tpu.dma_semaphore, #tpu.memory_space<semaphore_mem>> -> memref<1x!tpu.dma_semaphore, #tpu.memory_space<semaphore_mem>>
      %dma_wait3A_288 = tpu.memref_squeeze %dma_wait3A_287 : memref<1x!tpu.dma_semaphore, #tpu.memory_space<semaphore_mem>> -> memref<!tpu.dma_semaphore, #tpu.memory_space<semaphore_mem>>
      %dma_wait3A_289 = arith.constant 0 : i32
      %dma_wait3A_290 = arith.constant 0 : i32
      %dma_wait3A_291 = tpu.memref_slice %arg2[%dma_wait3A_285, %dma_wait3A_289, %dma_wait3A_290] : memref<2048x64x2048xf32, #tpu.memory_space<hbm>> -> memref<1x64x2048xf32, #tpu.memory_space<hbm>>
      %dma_wait3A_292 = tpu.memref_squeeze %dma_wait3A_291 : memref<1x64x2048xf32, #tpu.memory_space<hbm>> -> memref<64x2048xf32, #tpu.memory_space<hbm>>
      %dma_wait3A_293 = arith.constant 0 : i32
      %dma_wait3A_294 = arith.constant 0 : i32
      %dma_wait3A_295 = tpu.memref_slice %arg3[%dma_wait3A_284, %dma_wait3A_293, %dma_wait3A_294] : memref<2x64x4096xf32, #tpu.memory_space<vmem>> -> memref<1x64x2048xf32, #tpu.memory_space<vmem>>
      %dma_wait3A_296 = tpu.memref_squeeze %dma_wait3A_295 : memref<1x64x2048xf32, #tpu.memory_space<vmem>> -> memref<64x2048xf32, #tpu.memory_space<vmem>>
      tpu.wait_dma2 semaphore(%dma_wait3A_288 : memref<!tpu.dma_semaphore, #tpu.memory_space<semaphore_mem>>) src(%dma_wait3A_296 : memref<64x2048xf32, #tpu.memory_space<vmem>>) dst(%dma_wait3A_292 : memref<64x2048xf32, #tpu.memory_space<hbm>>)
      %dma_wait3A_297 = arith.constant 0 : i32
      %dma_wait3A_298 = arith.constant 0 : i32
      %dma_wait3A_299 = arith.constant 0 : i32
      %dma_wait3A_300 = tpu.memref_slice %arg4[%dma_wait3A_299] : memref<2x!tpu.dma_semaphore, #tpu.memory_space<semaphore_mem>> -> memref<1x!tpu.dma_semaphore, #tpu.memory_space<semaphore_mem>>
      %dma_wait3A_301 = tpu.memref_squeeze %dma_wait3A_300 : memref<1x!tpu.dma_semaphore, #tpu.memory_space<semaphore_mem>> -> memref<!tpu.dma_semaphore, #tpu.memory_space<semaphore_mem>>
      %dma_wait3A_302 = arith.constant 0 : i32
      %dma_wait3A_303 = arith.constant 0 : i32
      %dma_wait3A_304 = tpu.memref_slice %arg2[%dma_wait3A_298, %dma_wait3A_302, %dma_wait3A_303] : memref<2048x64x2048xf32, #tpu.memory_space<hbm>> -> memref<1x64x2048xf32, #tpu.memory_space<hbm>>
      %dma_wait3A_305 = tpu.memref_squeeze %dma_wait3A_304 : memref<1x64x2048xf32, #tpu.memory_space<hbm>> -> memref<64x2048xf32, #tpu.memory_space<hbm>>
      %dma_wait3A_306 = arith.constant 0 : i32
      %dma_wait3A_307 = arith.constant 0 : i32
      %dma_wait3A_308 = tpu.memref_slice %arg3[%dma_wait3A_297, %dma_wait3A_306, %dma_wait3A_307] : memref<2x64x4096xf32, #tpu.memory_space<vmem>> -> memref<1x64x2048xf32, #tpu.memory_space<vmem>>
      %dma_wait3A_309 = tpu.memref_squeeze %dma_wait3A_308 : memref<1x64x2048xf32, #tpu.memory_space<vmem>> -> memref<64x2048xf32, #tpu.memory_space<vmem>>
      tpu.wait_dma2 semaphore(%dma_wait3A_301 : memref<!tpu.dma_semaphore, #tpu.memory_space<semaphore_mem>>) src(%dma_wait3A_309 : memref<64x2048xf32, #tpu.memory_space<vmem>>) dst(%dma_wait3A_305 : memref<64x2048xf32, #tpu.memory_space<hbm>>)
      %dma_wait3A_310 = arith.constant 0 : i32
      %dma_wait3A_311 = arith.constant 0 : i32
      %dma_wait3A_312 = arith.constant 0 : i32
      %dma_wait3A_313 = tpu.memref_slice %arg4[%dma_wait3A_312] : memref<2x!tpu.dma_semaphore, #tpu.memory_space<semaphore_mem>> -> memref<1x!tpu.dma_semaphore, #tpu.memory_space<semaphore_mem>>
      %dma_wait3A_314 = tpu.memref_squeeze %dma_wait3A_313 : memref<1x!tpu.dma_semaphore, #tpu.memory_space<semaphore_mem>> -> memref<!tpu.dma_semaphore, #tpu.memory_space<semaphore_mem>>
      %dma_wait3A_315 = arith.constant 0 : i32
      %dma_wait3A_316 = arith.constant 0 : i32
      %dma_wait3A_317 = tpu.memref_slice %arg2[%dma_wait3A_311, %dma_wait3A_315, %dma_wait3A_316] : memref<2048x64x2048xf32, #tpu.memory_space<hbm>> -> memref<1x64x2048xf32, #tpu.memory_space<hbm>>
      %dma_wait3A_318 = tpu.memref_squeeze %dma_wait3A_317 : memref<1x64x2048xf32, #tpu.memory_space<hbm>> -> memref<64x2048xf32, #tpu.memory_space<hbm>>
      %dma_wait3A_319 = arith.constant 0 : i32
      %dma_wait3A_320 = arith.constant 0 : i32
      %dma_wait3A_321 = tpu.memref_slice %arg3[%dma_wait3A_310, %dma_wait3A_319, %dma_wait3A_320] : memref<2x64x4096xf32, #tpu.memory_space<vmem>> -> memref<1x64x2048xf32, #tpu.memory_space<vmem>>
      %dma_wait3A_322 = tpu.memref_squeeze %dma_wait3A_321 : memref<1x64x2048xf32, #tpu.memory_space<vmem>> -> memref<64x2048xf32, #tpu.memory_space<vmem>>
      tpu.wait_dma2 semaphore(%dma_wait3A_314 : memref<!tpu.dma_semaphore, #tpu.memory_space<semaphore_mem>>) src(%dma_wait3A_322 : memref<64x2048xf32, #tpu.memory_space<vmem>>) dst(%dma_wait3A_318 : memref<64x2048xf32, #tpu.memory_space<hbm>>)
      %dma_wait3A_323 = arith.constant 0 : i32
      %dma_wait3A_324 = arith.constant 0 : i32
      %dma_wait3A_325 = arith.constant 0 : i32
      %dma_wait3A_326 = tpu.memref_slice %arg4[%dma_wait3A_325] : memref<2x!tpu.dma_semaphore, #tpu.memory_space<semaphore_mem>> -> memref<1x!tpu.dma_semaphore, #tpu.memory_space<semaphore_mem>>
      %dma_wait3A_327 = tpu.memref_squeeze %dma_wait3A_326 : memref<1x!tpu.dma_semaphore, #tpu.memory_space<semaphore_mem>> -> memref<!tpu.dma_semaphore, #tpu.memory_space<semaphore_mem>>
      %dma_wait3A_328 = arith.constant 0 : i32
      %dma_wait3A_329 = arith.constant 0 : i32
      %dma_wait3A_330 = tpu.memref_slice %arg2[%dma_wait3A_324, %dma_wait3A_328, %dma_wait3A_329] : memref<2048x64x2048xf32, #tpu.memory_space<hbm>> -> memref<1x64x2048xf32, #tpu.memory_space<hbm>>
      %dma_wait3A_331 = tpu.memref_squeeze %dma_wait3A_330 : memref<1x64x2048xf32, #tpu.memory_space<hbm>> -> memref<64x2048xf32, #tpu.memory_space<hbm>>
      %dma_wait3A_332 = arith.constant 0 : i32
      %dma_wait3A_333 = arith.constant 0 : i32
      %dma_wait3A_334 = tpu.memref_slice %arg3[%dma_wait3A_323, %dma_wait3A_332, %dma_wait3A_333] : memref<2x64x4096xf32, #tpu.memory_space<vmem>> -> memref<1x64x2048xf32, #tpu.memory_space<vmem>>
      %dma_wait3A_335 = tpu.memref_squeeze %dma_wait3A_334 : memref<1x64x2048xf32, #tpu.memory_space<vmem>> -> memref<64x2048xf32, #tpu.memory_space<vmem>>
      tpu.wait_dma2 semaphore(%dma_wait3A_327 : memref<!tpu.dma_semaphore, #tpu.memory_space<semaphore_mem>>) src(%dma_wait3A_335 : memref<64x2048xf32, #tpu.memory_space<vmem>>) dst(%dma_wait3A_331 : memref<64x2048xf32, #tpu.memory_space<hbm>>)
      %dma_wait3A_336 = arith.constant 0 : i32
      %dma_wait3A_337 = arith.constant 0 : i32
      %dma_wait3A_338 = arith.constant 0 : i32
      %dma_wait3A_339 = tpu.memref_slice %arg4[%dma_wait3A_338] : memref<2x!tpu.dma_semaphore, #tpu.memory_space<semaphore_mem>> -> memref<1x!tpu.dma_semaphore, #tpu.memory_space<semaphore_mem>>
      %dma_wait3A_340 = tpu.memref_squeeze %dma_wait3A_339 : memref<1x!tpu.dma_semaphore, #tpu.memory_space<semaphore_mem>> -> memref<!tpu.dma_semaphore, #tpu.memory_space<semaphore_mem>>
      %dma_wait3A_341 = arith.constant 0 : i32
      %dma_wait3A_342 = arith.constant 0 : i32
      %dma_wait3A_343 = tpu.memref_slice %arg2[%dma_wait3A_337, %dma_wait3A_341, %dma_wait3A_342] : memref<2048x64x2048xf32, #tpu.memory_space<hbm>> -> memref<1x64x2048xf32, #tpu.memory_space<hbm>>
      %dma_wait3A_344 = tpu.memref_squeeze %dma_wait3A_343 : memref<1x64x2048xf32, #tpu.memory_space<hbm>> -> memref<64x2048xf32, #tpu.memory_space<hbm>>
      %dma_wait3A_345 = arith.constant 0 : i32
      %dma_wait3A_346 = arith.constant 0 : i32
      %dma_wait3A_347 = tpu.memref_slice %arg3[%dma_wait3A_336, %dma_wait3A_345, %dma_wait3A_346] : memref<2x64x4096xf32, #tpu.memory_space<vmem>> -> memref<1x64x2048xf32, #tpu.memory_space<vmem>>
      %dma_wait3A_348 = tpu.memref_squeeze %dma_wait3A_347 : memref<1x64x2048xf32, #tpu.memory_space<vmem>> -> memref<64x2048xf32, #tpu.memory_space<vmem>>
      tpu.wait_dma2 semaphore(%dma_wait3A_340 : memref<!tpu.dma_semaphore, #tpu.memory_space<semaphore_mem>>) src(%dma_wait3A_348 : memref<64x2048xf32, #tpu.memory_space<vmem>>) dst(%dma_wait3A_344 : memref<64x2048xf32, #tpu.memory_space<hbm>>)
      %dma_wait3A_349 = arith.constant 0 : i32
      %dma_wait3A_350 = arith.constant 0 : i32
      %dma_wait3A_351 = arith.constant 0 : i32
      %dma_wait3A_352 = tpu.memref_slice %arg4[%dma_wait3A_351] : memref<2x!tpu.dma_semaphore, #tpu.memory_space<semaphore_mem>> -> memref<1x!tpu.dma_semaphore, #tpu.memory_space<semaphore_mem>>
      %dma_wait3A_353 = tpu.memref_squeeze %dma_wait3A_352 : memref<1x!tpu.dma_semaphore, #tpu.memory_space<semaphore_mem>> -> memref<!tpu.dma_semaphore, #tpu.memory_space<semaphore_mem>>
      %dma_wait3A_354 = arith.constant 0 : i32
      %dma_wait3A_355 = arith.constant 0 : i32
      %dma_wait3A_356 = tpu.memref_slice %arg2[%dma_wait3A_350, %dma_wait3A_354, %dma_wait3A_355] : memref<2048x64x2048xf32, #tpu.memory_space<hbm>> -> memref<1x64x2048xf32, #tpu.memory_space<hbm>>
      %dma_wait3A_357 = tpu.memref_squeeze %dma_wait3A_356 : memref<1x64x2048xf32, #tpu.memory_space<hbm>> -> memref<64x2048xf32, #tpu.memory_space<hbm>>
      %dma_wait3A_358 = arith.constant 0 : i32
      %dma_wait3A_359 = arith.constant 0 : i32
      %dma_wait3A_360 = tpu.memref_slice %arg3[%dma_wait3A_349, %dma_wait3A_358, %dma_wait3A_359] : memref<2x64x4096xf32, #tpu.memory_space<vmem>> -> memref<1x64x2048xf32, #tpu.memory_space<vmem>>
      %dma_wait3A_361 = tpu.memref_squeeze %dma_wait3A_360 : memref<1x64x2048xf32, #tpu.memory_space<vmem>> -> memref<64x2048xf32, #tpu.memory_space<vmem>>
      tpu.wait_dma2 semaphore(%dma_wait3A_353 : memref<!tpu.dma_semaphore, #tpu.memory_space<semaphore_mem>>) src(%dma_wait3A_361 : memref<64x2048xf32, #tpu.memory_space<vmem>>) dst(%dma_wait3A_357 : memref<64x2048xf32, #tpu.memory_space<hbm>>)
      %dma_wait3A_362 = arith.constant 0 : i32
      %dma_wait3A_363 = arith.constant 0 : i32
      %dma_wait3A_364 = arith.constant 0 : i32
      %dma_wait3A_365 = tpu.memref_slice %arg4[%dma_wait3A_364] : memref<2x!tpu.dma_semaphore, #tpu.memory_space<semaphore_mem>> -> memref<1x!tpu.dma_semaphore, #tpu.memory_space<semaphore_mem>>
      %dma_wait3A_366 = tpu.memref_squeeze %dma_wait3A_365 : memref<1x!tpu.dma_semaphore, #tpu.memory_space<semaphore_mem>> -> memref<!tpu.dma_semaphore, #tpu.memory_space<semaphore_mem>>
      %dma_wait3A_367 = arith.constant 0 : i32
      %dma_wait3A_368 = arith.constant 0 : i32
      %dma_wait3A_369 = tpu.memref_slice %arg2[%dma_wait3A_363, %dma_wait3A_367, %dma_wait3A_368] : memref<2048x64x2048xf32, #tpu.memory_space<hbm>> -> memref<1x64x2048xf32, #tpu.memory_space<hbm>>
      %dma_wait3A_370 = tpu.memref_squeeze %dma_wait3A_369 : memref<1x64x2048xf32, #tpu.memory_space<hbm>> -> memref<64x2048xf32, #tpu.memory_space<hbm>>
      %dma_wait3A_371 = arith.constant 0 : i32
      %dma_wait3A_372 = arith.constant 0 : i32
      %dma_wait3A_373 = tpu.memref_slice %arg3[%dma_wait3A_362, %dma_wait3A_371, %dma_wait3A_372] : memref<2x64x4096xf32, #tpu.memory_space<vmem>> -> memref<1x64x2048xf32, #tpu.memory_space<vmem>>
      %dma_wait3A_374 = tpu.memref_squeeze %dma_wait3A_373 : memref<1x64x2048xf32, #tpu.memory_space<vmem>> -> memref<64x2048xf32, #tpu.memory_space<vmem>>
      tpu.wait_dma2 semaphore(%dma_wait3A_366 : memref<!tpu.dma_semaphore, #tpu.memory_space<semaphore_mem>>) src(%dma_wait3A_374 : memref<64x2048xf32, #tpu.memory_space<vmem>>) dst(%dma_wait3A_370 : memref<64x2048xf32, #tpu.memory_space<hbm>>)
      %dma_wait3A_375 = arith.constant 0 : i32
      %dma_wait3A_376 = arith.constant 0 : i32
      %dma_wait3A_377 = arith.constant 0 : i32
      %dma_wait3A_378 = tpu.memref_slice %arg4[%dma_wait3A_377] : memref<2x!tpu.dma_semaphore, #tpu.memory_space<semaphore_mem>> -> memref<1x!tpu.dma_semaphore, #tpu.memory_space<semaphore_mem>>
      %dma_wait3A_379 = tpu.memref_squeeze %dma_wait3A_378 : memref<1x!tpu.dma_semaphore, #tpu.memory_space<semaphore_mem>> -> memref<!tpu.dma_semaphore, #tpu.memory_space<semaphore_mem>>
      %dma_wait3A_380 = arith.constant 0 : i32
      %dma_wait3A_381 = arith.constant 0 : i32
      %dma_wait3A_382 = tpu.memref_slice %arg2[%dma_wait3A_376, %dma_wait3A_380, %dma_wait3A_381] : memref<2048x64x2048xf32, #tpu.memory_space<hbm>> -> memref<1x64x2048xf32, #tpu.memory_space<hbm>>
      %dma_wait3A_383 = tpu.memref_squeeze %dma_wait3A_382 : memref<1x64x2048xf32, #tpu.memory_space<hbm>> -> memref<64x2048xf32, #tpu.memory_space<hbm>>
      %dma_wait3A_384 = arith.constant 0 : i32
      %dma_wait3A_385 = arith.constant 0 : i32
      %dma_wait3A_386 = tpu.memref_slice %arg3[%dma_wait3A_375, %dma_wait3A_384, %dma_wait3A_385] : memref<2x64x4096xf32, #tpu.memory_space<vmem>> -> memref<1x64x2048xf32, #tpu.memory_space<vmem>>
      %dma_wait3A_387 = tpu.memref_squeeze %dma_wait3A_386 : memref<1x64x2048xf32, #tpu.memory_space<vmem>> -> memref<64x2048xf32, #tpu.memory_space<vmem>>
      tpu.wait_dma2 semaphore(%dma_wait3A_379 : memref<!tpu.dma_semaphore, #tpu.memory_space<semaphore_mem>>) src(%dma_wait3A_387 : memref<64x2048xf32, #tpu.memory_space<vmem>>) dst(%dma_wait3A_383 : memref<64x2048xf32, #tpu.memory_space<hbm>>)
      %dma_wait3A_388 = arith.constant 0 : i32
      %dma_wait3A_389 = arith.constant 0 : i32
      %dma_wait3A_390 = arith.constant 0 : i32
      %dma_wait3A_391 = tpu.memref_slice %arg4[%dma_wait3A_390] : memref<2x!tpu.dma_semaphore, #tpu.memory_space<semaphore_mem>> -> memref<1x!tpu.dma_semaphore, #tpu.memory_space<semaphore_mem>>
      %dma_wait3A_392 = tpu.memref_squeeze %dma_wait3A_391 : memref<1x!tpu.dma_semaphore, #tpu.memory_space<semaphore_mem>> -> memref<!tpu.dma_semaphore, #tpu.memory_space<semaphore_mem>>
      %dma_wait3A_393 = arith.constant 0 : i32
      %dma_wait3A_394 = arith.constant 0 : i32
      %dma_wait3A_395 = tpu.memref_slice %arg2[%dma_wait3A_389, %dma_wait3A_393, %dma_wait3A_394] : memref<2048x64x2048xf32, #tpu.memory_space<hbm>> -> memref<1x64x2048xf32, #tpu.memory_space<hbm>>
      %dma_wait3A_396 = tpu.memref_squeeze %dma_wait3A_395 : memref<1x64x2048xf32, #tpu.memory_space<hbm>> -> memref<64x2048xf32, #tpu.memory_space<hbm>>
      %dma_wait3A_397 = arith.constant 0 : i32
      %dma_wait3A_398 = arith.constant 0 : i32
      %dma_wait3A_399 = tpu.memref_slice %arg3[%dma_wait3A_388, %dma_wait3A_397, %dma_wait3A_398] : memref<2x64x4096xf32, #tpu.memory_space<vmem>> -> memref<1x64x2048xf32, #tpu.memory_space<vmem>>
      %dma_wait3A_400 = tpu.memref_squeeze %dma_wait3A_399 : memref<1x64x2048xf32, #tpu.memory_space<vmem>> -> memref<64x2048xf32, #tpu.memory_space<vmem>>
      tpu.wait_dma2 semaphore(%dma_wait3A_392 : memref<!tpu.dma_semaphore, #tpu.memory_space<semaphore_mem>>) src(%dma_wait3A_400 : memref<64x2048xf32, #tpu.memory_space<vmem>>) dst(%dma_wait3A_396 : memref<64x2048xf32, #tpu.memory_space<hbm>>)
      %dma_wait3A_401 = arith.constant 0 : i32
      %dma_wait3A_402 = arith.constant 0 : i32
      %dma_wait3A_403 = arith.constant 0 : i32
      %dma_wait3A_404 = tpu.memref_slice %arg4[%dma_wait3A_403] : memref<2x!tpu.dma_semaphore, #tpu.memory_space<semaphore_mem>> -> memref<1x!tpu.dma_semaphore, #tpu.memory_space<semaphore_mem>>
      %dma_wait3A_405 = tpu.memref_squeeze %dma_wait3A_404 : memref<1x!tpu.dma_semaphore, #tpu.memory_space<semaphore_mem>> -> memref<!tpu.dma_semaphore, #tpu.memory_space<semaphore_mem>>
      %dma_wait3A_406 = arith.constant 0 : i32
      %dma_wait3A_407 = arith.constant 0 : i32
      %dma_wait3A_408 = tpu.memref_slice %arg2[%dma_wait3A_402, %dma_wait3A_406, %dma_wait3A_407] : memref<2048x64x2048xf32, #tpu.memory_space<hbm>> -> memref<1x64x2048xf32, #tpu.memory_space<hbm>>
      %dma_wait3A_409 = tpu.memref_squeeze %dma_wait3A_408 : memref<1x64x2048xf32, #tpu.memory_space<hbm>> -> memref<64x2048xf32, #tpu.memory_space<hbm>>
      %dma_wait3A_410 = arith.constant 0 : i32
      %dma_wait3A_411 = arith.constant 0 : i32
      %dma_wait3A_412 = tpu.memref_slice %arg3[%dma_wait3A_401, %dma_wait3A_410, %dma_wait3A_411] : memref<2x64x4096xf32, #tpu.memory_space<vmem>> -> memref<1x64x2048xf32, #tpu.memory_space<vmem>>
      %dma_wait3A_413 = tpu.memref_squeeze %dma_wait3A_412 : memref<1x64x2048xf32, #tpu.memory_space<vmem>> -> memref<64x2048xf32, #tpu.memory_space<vmem>>
      tpu.wait_dma2 semaphore(%dma_wait3A_405 : memref<!tpu.dma_semaphore, #tpu.memory_space<semaphore_mem>>) src(%dma_wait3A_413 : memref<64x2048xf32, #tpu.memory_space<vmem>>) dst(%dma_wait3A_409 : memref<64x2048xf32, #tpu.memory_space<hbm>>)
      %dma_wait3A_414 = arith.constant 0 : i32
      %dma_wait3A_415 = arith.constant 0 : i32
      %dma_wait3A_416 = arith.constant 0 : i32
      %dma_wait3A_417 = tpu.memref_slice %arg4[%dma_wait3A_416] : memref<2x!tpu.dma_semaphore, #tpu.memory_space<semaphore_mem>> -> memref<1x!tpu.dma_semaphore, #tpu.memory_space<semaphore_mem>>
      %dma_wait3A_418 = tpu.memref_squeeze %dma_wait3A_417 : memref<1x!tpu.dma_semaphore, #tpu.memory_space<semaphore_mem>> -> memref<!tpu.dma_semaphore, #tpu.memory_space<semaphore_mem>>
      %dma_wait3A_419 = arith.constant 0 : i32
      %dma_wait3A_420 = arith.constant 0 : i32
      %dma_wait3A_421 = tpu.memref_slice %arg2[%dma_wait3A_415, %dma_wait3A_419, %dma_wait3A_420] : memref<2048x64x2048xf32, #tpu.memory_space<hbm>> -> memref<1x64x2048xf32, #tpu.memory_space<hbm>>
      %dma_wait3A_422 = tpu.memref_squeeze %dma_wait3A_421 : memref<1x64x2048xf32, #tpu.memory_space<hbm>> -> memref<64x2048xf32, #tpu.memory_space<hbm>>
      %dma_wait3A_423 = arith.constant 0 : i32
      %dma_wait3A_424 = arith.constant 0 : i32
      %dma_wait3A_425 = tpu.memref_slice %arg3[%dma_wait3A_414, %dma_wait3A_423, %dma_wait3A_424] : memref<2x64x4096xf32, #tpu.memory_space<vmem>> -> memref<1x64x2048xf32, #tpu.memory_space<vmem>>
      %dma_wait3A_426 = tpu.memref_squeeze %dma_wait3A_425 : memref<1x64x2048xf32, #tpu.memory_space<vmem>> -> memref<64x2048xf32, #tpu.memory_space<vmem>>
      tpu.wait_dma2 semaphore(%dma_wait3A_418 : memref<!tpu.dma_semaphore, #tpu.memory_space<semaphore_mem>>) src(%dma_wait3A_426 : memref<64x2048xf32, #tpu.memory_space<vmem>>) dst(%dma_wait3A_422 : memref<64x2048xf32, #tpu.memory_space<hbm>>)
      %dma_wait3A_427 = arith.constant 0 : i32
      %dma_wait3A_428 = arith.constant 0 : i32
      %dma_wait3A_429 = arith.constant 0 : i32
      %dma_wait3A_430 = tpu.memref_slice %arg4[%dma_wait3A_429] : memref<2x!tpu.dma_semaphore, #tpu.memory_space<semaphore_mem>> -> memref<1x!tpu.dma_semaphore, #tpu.memory_space<semaphore_mem>>
      %dma_wait3A_431 = tpu.memref_squeeze %dma_wait3A_430 : memref<1x!tpu.dma_semaphore, #tpu.memory_space<semaphore_mem>> -> memref<!tpu.dma_semaphore, #tpu.memory_space<semaphore_mem>>
      %dma_wait3A_432 = arith.constant 0 : i32
      %dma_wait3A_433 = arith.constant 0 : i32
      %dma_wait3A_434 = tpu.memref_slice %arg2[%dma_wait3A_428, %dma_wait3A_432, %dma_wait3A_433] : memref<2048x64x2048xf32, #tpu.memory_space<hbm>> -> memref<1x64x2048xf32, #tpu.memory_space<hbm>>
      %dma_wait3A_435 = tpu.memref_squeeze %dma_wait3A_434 : memref<1x64x2048xf32, #tpu.memory_space<hbm>> -> memref<64x2048xf32, #tpu.memory_space<hbm>>
      %dma_wait3A_436 = arith.constant 0 : i32
      %dma_wait3A_437 = arith.constant 0 : i32
      %dma_wait3A_438 = tpu.memref_slice %arg3[%dma_wait3A_427, %dma_wait3A_436, %dma_wait3A_437] : memref<2x64x4096xf32, #tpu.memory_space<vmem>> -> memref<1x64x2048xf32, #tpu.memory_space<vmem>>
      %dma_wait3A_439 = tpu.memref_squeeze %dma_wait3A_438 : memref<1x64x2048xf32, #tpu.memory_space<vmem>> -> memref<64x2048xf32, #tpu.memory_space<vmem>>
      tpu.wait_dma2 semaphore(%dma_wait3A_431 : memref<!tpu.dma_semaphore, #tpu.memory_space<semaphore_mem>>) src(%dma_wait3A_439 : memref<64x2048xf32, #tpu.memory_space<vmem>>) dst(%dma_wait3A_435 : memref<64x2048xf32, #tpu.memory_space<hbm>>)
      %dma_wait3A_440 = arith.constant 0 : i32
      %dma_wait3A_441 = arith.constant 0 : i32
      %dma_wait3A_442 = arith.constant 0 : i32
      %dma_wait3A_443 = tpu.memref_slice %arg4[%dma_wait3A_442] : memref<2x!tpu.dma_semaphore, #tpu.memory_space<semaphore_mem>> -> memref<1x!tpu.dma_semaphore, #tpu.memory_space<semaphore_mem>>
      %dma_wait3A_444 = tpu.memref_squeeze %dma_wait3A_443 : memref<1x!tpu.dma_semaphore, #tpu.memory_space<semaphore_mem>> -> memref<!tpu.dma_semaphore, #tpu.memory_space<semaphore_mem>>
      %dma_wait3A_445 = arith.constant 0 : i32
      %dma_wait3A_446 = arith.constant 0 : i32
      %dma_wait3A_447 = tpu.memref_slice %arg2[%dma_wait3A_441, %dma_wait3A_445, %dma_wait3A_446] : memref<2048x64x2048xf32, #tpu.memory_space<hbm>> -> memref<1x64x2048xf32, #tpu.memory_space<hbm>>
      %dma_wait3A_448 = tpu.memref_squeeze %dma_wait3A_447 : memref<1x64x2048xf32, #tpu.memory_space<hbm>> -> memref<64x2048xf32, #tpu.memory_space<hbm>>
      %dma_wait3A_449 = arith.constant 0 : i32
      %dma_wait3A_450 = arith.constant 0 : i32
      %dma_wait3A_451 = tpu.memref_slice %arg3[%dma_wait3A_440, %dma_wait3A_449, %dma_wait3A_450] : memref<2x64x4096xf32, #tpu.memory_space<vmem>> -> memref<1x64x2048xf32, #tpu.memory_space<vmem>>
      %dma_wait3A_452 = tpu.memref_squeeze %dma_wait3A_451 : memref<1x64x2048xf32, #tpu.memory_space<vmem>> -> memref<64x2048xf32, #tpu.memory_space<vmem>>
      tpu.wait_dma2 semaphore(%dma_wait3A_444 : memref<!tpu.dma_semaphore, #tpu.memory_space<semaphore_mem>>) src(%dma_wait3A_452 : memref<64x2048xf32, #tpu.memory_space<vmem>>) dst(%dma_wait3A_448 : memref<64x2048xf32, #tpu.memory_space<hbm>>)
      %dma_wait3A_453 = arith.constant 0 : i32
      %dma_wait3A_454 = arith.constant 0 : i32
      %dma_wait3A_455 = arith.constant 1 : i32
      %dma_wait3A_456 = tpu.memref_slice %arg4[%dma_wait3A_455] : memref<2x!tpu.dma_semaphore, #tpu.memory_space<semaphore_mem>> -> memref<1x!tpu.dma_semaphore, #tpu.memory_space<semaphore_mem>>
      %dma_wait3A_457 = tpu.memref_squeeze %dma_wait3A_456 : memref<1x!tpu.dma_semaphore, #tpu.memory_space<semaphore_mem>> -> memref<!tpu.dma_semaphore, #tpu.memory_space<semaphore_mem>>
      %dma_wait3A_458 = arith.constant 0 : i32
      %dma_wait3A_459 = arith.constant 0 : i32
      %dma_wait3A_460 = tpu.memref_slice %arg2[%dma_wait3A_454, %dma_wait3A_458, %dma_wait3A_459] : memref<2048x64x2048xf32, #tpu.memory_space<hbm>> -> memref<1x64x2048xf32, #tpu.memory_space<hbm>>
      %dma_wait3A_461 = tpu.memref_squeeze %dma_wait3A_460 : memref<1x64x2048xf32, #tpu.memory_space<hbm>> -> memref<64x2048xf32, #tpu.memory_space<hbm>>
      %dma_wait3A_462 = arith.constant 0 : i32
      %dma_wait3A_463 = arith.constant 0 : i32
      %dma_wait3A_464 = tpu.memref_slice %arg3[%dma_wait3A_453, %dma_wait3A_462, %dma_wait3A_463] : memref<2x64x4096xf32, #tpu.memory_space<vmem>> -> memref<1x64x2048xf32, #tpu.memory_space<vmem>>
      %dma_wait3A_465 = tpu.memref_squeeze %dma_wait3A_464 : memref<1x64x2048xf32, #tpu.memory_space<vmem>> -> memref<64x2048xf32, #tpu.memory_space<vmem>>
      tpu.wait_dma2 semaphore(%dma_wait3A_457 : memref<!tpu.dma_semaphore, #tpu.memory_space<semaphore_mem>>) src(%dma_wait3A_465 : memref<64x2048xf32, #tpu.memory_space<vmem>>) dst(%dma_wait3A_461 : memref<64x2048xf32, #tpu.memory_space<hbm>>)
      %dma_wait3A_466 = arith.constant 0 : i32
      %dma_wait3A_467 = arith.constant 0 : i32
      %dma_wait3A_468 = arith.constant 1 : i32
      %dma_wait3A_469 = tpu.memref_slice %arg4[%dma_wait3A_468] : memref<2x!tpu.dma_semaphore, #tpu.memory_space<semaphore_mem>> -> memref<1x!tpu.dma_semaphore, #tpu.memory_space<semaphore_mem>>
      %dma_wait3A_470 = tpu.memref_squeeze %dma_wait3A_469 : memref<1x!tpu.dma_semaphore, #tpu.memory_space<semaphore_mem>> -> memref<!tpu.dma_semaphore, #tpu.memory_space<semaphore_mem>>
      %dma_wait3A_471 = arith.constant 0 : i32
      %dma_wait3A_472 = arith.constant 0 : i32
      %dma_wait3A_473 = tpu.memref_slice %arg2[%dma_wait3A_467, %dma_wait3A_471, %dma_wait3A_472] : memref<2048x64x2048xf32, #tpu.memory_space<hbm>> -> memref<1x64x2048xf32, #tpu.memory_space<hbm>>
      %dma_wait3A_474 = tpu.memref_squeeze %dma_wait3A_473 : memref<1x64x2048xf32, #tpu.memory_space<hbm>> -> memref<64x2048xf32, #tpu.memory_space<hbm>>
      %dma_wait3A_475 = arith.constant 0 : i32
      %dma_wait3A_476 = arith.constant 0 : i32
      %dma_wait3A_477 = tpu.memref_slice %arg3[%dma_wait3A_466, %dma_wait3A_475, %dma_wait3A_476] : memref<2x64x4096xf32, #tpu.memory_space<vmem>> -> memref<1x64x2048xf32, #tpu.memory_space<vmem>>
      %dma_wait3A_478 = tpu.memref_squeeze %dma_wait3A_477 : memref<1x64x2048xf32, #tpu.memory_space<vmem>> -> memref<64x2048xf32, #tpu.memory_space<vmem>>
      tpu.wait_dma2 semaphore(%dma_wait3A_470 : memref<!tpu.dma_semaphore, #tpu.memory_space<semaphore_mem>>) src(%dma_wait3A_478 : memref<64x2048xf32, #tpu.memory_space<vmem>>) dst(%dma_wait3A_474 : memref<64x2048xf32, #tpu.memory_space<hbm>>)
      %dma_wait3A_479 = arith.constant 0 : i32
      %dma_wait3A_480 = arith.constant 0 : i32
      %dma_wait3A_481 = arith.constant 1 : i32
      %dma_wait3A_482 = tpu.memref_slice %arg4[%dma_wait3A_481] : memref<2x!tpu.dma_semaphore, #tpu.memory_space<semaphore_mem>> -> memref<1x!tpu.dma_semaphore, #tpu.memory_space<semaphore_mem>>
      %dma_wait3A_483 = tpu.memref_squeeze %dma_wait3A_482 : memref<1x!tpu.dma_semaphore, #tpu.memory_space<semaphore_mem>> -> memref<!tpu.dma_semaphore, #tpu.memory_space<semaphore_mem>>
      %dma_wait3A_484 = arith.constant 0 : i32
      %dma_wait3A_485 = arith.constant 0 : i32
      %dma_wait3A_486 = tpu.memref_slice %arg2[%dma_wait3A_480, %dma_wait3A_484, %dma_wait3A_485] : memref<2048x64x2048xf32, #tpu.memory_space<hbm>> -> memref<1x64x2048xf32, #tpu.memory_space<hbm>>
      %dma_wait3A_487 = tpu.memref_squeeze %dma_wait3A_486 : memref<1x64x2048xf32, #tpu.memory_space<hbm>> -> memref<64x2048xf32, #tpu.memory_space<hbm>>
      %dma_wait3A_488 = arith.constant 0 : i32
      %dma_wait3A_489 = arith.constant 0 : i32
      %dma_wait3A_490 = tpu.memref_slice %arg3[%dma_wait3A_479, %dma_wait3A_488, %dma_wait3A_489] : memref<2x64x4096xf32, #tpu.memory_space<vmem>> -> memref<1x64x2048xf32, #tpu.memory_space<vmem>>
      %dma_wait3A_491 = tpu.memref_squeeze %dma_wait3A_490 : memref<1x64x2048xf32, #tpu.memory_space<vmem>> -> memref<64x2048xf32, #tpu.memory_space<vmem>>
      tpu.wait_dma2 semaphore(%dma_wait3A_483 : memref<!tpu.dma_semaphore, #tpu.memory_space<semaphore_mem>>) src(%dma_wait3A_491 : memref<64x2048xf32, #tpu.memory_space<vmem>>) dst(%dma_wait3A_487 : memref<64x2048xf32, #tpu.memory_space<hbm>>)
      %dma_wait3A_492 = arith.constant 0 : i32
      %dma_wait3A_493 = arith.constant 0 : i32
      %dma_wait3A_494 = arith.constant 1 : i32
      %dma_wait3A_495 = tpu.memref_slice %arg4[%dma_wait3A_494] : memref<2x!tpu.dma_semaphore, #tpu.memory_space<semaphore_mem>> -> memref<1x!tpu.dma_semaphore, #tpu.memory_space<semaphore_mem>>
      %dma_wait3A_496 = tpu.memref_squeeze %dma_wait3A_495 : memref<1x!tpu.dma_semaphore, #tpu.memory_space<semaphore_mem>> -> memref<!tpu.dma_semaphore, #tpu.memory_space<semaphore_mem>>
      %dma_wait3A_497 = arith.constant 0 : i32
      %dma_wait3A_498 = arith.constant 0 : i32
      %dma_wait3A_499 = tpu.memref_slice %arg2[%dma_wait3A_493, %dma_wait3A_497, %dma_wait3A_498] : memref<2048x64x2048xf32, #tpu.memory_space<hbm>> -> memref<1x64x2048xf32, #tpu.memory_space<hbm>>
      %dma_wait3A_500 = tpu.memref_squeeze %dma_wait3A_499 : memref<1x64x2048xf32, #tpu.memory_space<hbm>> -> memref<64x2048xf32, #tpu.memory_space<hbm>>
      %dma_wait3A_501 = arith.constant 0 : i32
      %dma_wait3A_502 = arith.constant 0 : i32
      %dma_wait3A_503 = tpu.memref_slice %arg3[%dma_wait3A_492, %dma_wait3A_501, %dma_wait3A_502] : memref<2x64x4096xf32, #tpu.memory_space<vmem>> -> memref<1x64x2048xf32, #tpu.memory_space<vmem>>
      %dma_wait3A_504 = tpu.memref_squeeze %dma_wait3A_503 : memref<1x64x2048xf32, #tpu.memory_space<vmem>> -> memref<64x2048xf32, #tpu.memory_space<vmem>>
      tpu.wait_dma2 semaphore(%dma_wait3A_496 : memref<!tpu.dma_semaphore, #tpu.memory_space<semaphore_mem>>) src(%dma_wait3A_504 : memref<64x2048xf32, #tpu.memory_space<vmem>>) dst(%dma_wait3A_500 : memref<64x2048xf32, #tpu.memory_space<hbm>>)
      %dma_wait3A_505 = arith.constant 0 : i32
      %dma_wait3A_506 = arith.constant 0 : i32
      %dma_wait3A_507 = arith.constant 1 : i32
      %dma_wait3A_508 = tpu.memref_slice %arg4[%dma_wait3A_507] : memref<2x!tpu.dma_semaphore, #tpu.memory_space<semaphore_mem>> -> memref<1x!tpu.dma_semaphore, #tpu.memory_space<semaphore_mem>>
      %dma_wait3A_509 = tpu.memref_squeeze %dma_wait3A_508 : memref<1x!tpu.dma_semaphore, #tpu.memory_space<semaphore_mem>> -> memref<!tpu.dma_semaphore, #tpu.memory_space<semaphore_mem>>
      %dma_wait3A_510 = arith.constant 0 : i32
      %dma_wait3A_511 = arith.constant 0 : i32
      %dma_wait3A_512 = tpu.memref_slice %arg2[%dma_wait3A_506, %dma_wait3A_510, %dma_wait3A_511] : memref<2048x64x2048xf32, #tpu.memory_space<hbm>> -> memref<1x64x2048xf32, #tpu.memory_space<hbm>>
      %dma_wait3A_513 = tpu.memref_squeeze %dma_wait3A_512 : memref<1x64x2048xf32, #tpu.memory_space<hbm>> -> memref<64x2048xf32, #tpu.memory_space<hbm>>
      %dma_wait3A_514 = arith.constant 0 : i32
      %dma_wait3A_515 = arith.constant 0 : i32
      %dma_wait3A_516 = tpu.memref_slice %arg3[%dma_wait3A_505, %dma_wait3A_514, %dma_wait3A_515] : memref<2x64x4096xf32, #tpu.memory_space<vmem>> -> memref<1x64x2048xf32, #tpu.memory_space<vmem>>
      %dma_wait3A_517 = tpu.memref_squeeze %dma_wait3A_516 : memref<1x64x2048xf32, #tpu.memory_space<vmem>> -> memref<64x2048xf32, #tpu.memory_space<vmem>>
      tpu.wait_dma2 semaphore(%dma_wait3A_509 : memref<!tpu.dma_semaphore, #tpu.memory_space<semaphore_mem>>) src(%dma_wait3A_517 : memref<64x2048xf32, #tpu.memory_space<vmem>>) dst(%dma_wait3A_513 : memref<64x2048xf32, #tpu.memory_space<hbm>>)
      %dma_wait3A_518 = arith.constant 0 : i32
      %dma_wait3A_519 = arith.constant 0 : i32
      %dma_wait3A_520 = arith.constant 1 : i32
      %dma_wait3A_521 = tpu.memref_slice %arg4[%dma_wait3A_520] : memref<2x!tpu.dma_semaphore, #tpu.memory_space<semaphore_mem>> -> memref<1x!tpu.dma_semaphore, #tpu.memory_space<semaphore_mem>>
      %dma_wait3A_522 = tpu.memref_squeeze %dma_wait3A_521 : memref<1x!tpu.dma_semaphore, #tpu.memory_space<semaphore_mem>> -> memref<!tpu.dma_semaphore, #tpu.memory_space<semaphore_mem>>
      %dma_wait3A_523 = arith.constant 0 : i32
      %dma_wait3A_524 = arith.constant 0 : i32
      %dma_wait3A_525 = tpu.memref_slice %arg2[%dma_wait3A_519, %dma_wait3A_523, %dma_wait3A_524] : memref<2048x64x2048xf32, #tpu.memory_space<hbm>> -> memref<1x64x2048xf32, #tpu.memory_space<hbm>>
      %dma_wait3A_526 = tpu.memref_squeeze %dma_wait3A_525 : memref<1x64x2048xf32, #tpu.memory_space<hbm>> -> memref<64x2048xf32, #tpu.memory_space<hbm>>
      %dma_wait3A_527 = arith.constant 0 : i32
      %dma_wait3A_528 = arith.constant 0 : i32
      %dma_wait3A_529 = tpu.memref_slice %arg3[%dma_wait3A_518, %dma_wait3A_527, %dma_wait3A_528] : memref<2x64x4096xf32, #tpu.memory_space<vmem>> -> memref<1x64x2048xf32, #tpu.memory_space<vmem>>
      %dma_wait3A_530 = tpu.memref_squeeze %dma_wait3A_529 : memref<1x64x2048xf32, #tpu.memory_space<vmem>> -> memref<64x2048xf32, #tpu.memory_space<vmem>>
      tpu.wait_dma2 semaphore(%dma_wait3A_522 : memref<!tpu.dma_semaphore, #tpu.memory_space<semaphore_mem>>) src(%dma_wait3A_530 : memref<64x2048xf32, #tpu.memory_space<vmem>>) dst(%dma_wait3A_526 : memref<64x2048xf32, #tpu.memory_space<hbm>>)
      %dma_wait3A_531 = arith.constant 0 : i32
      %dma_wait3A_532 = arith.constant 0 : i32
      %dma_wait3A_533 = arith.constant 1 : i32
      %dma_wait3A_534 = tpu.memref_slice %arg4[%dma_wait3A_533] : memref<2x!tpu.dma_semaphore, #tpu.memory_space<semaphore_mem>> -> memref<1x!tpu.dma_semaphore, #tpu.memory_space<semaphore_mem>>
      %dma_wait3A_535 = tpu.memref_squeeze %dma_wait3A_534 : memref<1x!tpu.dma_semaphore, #tpu.memory_space<semaphore_mem>> -> memref<!tpu.dma_semaphore, #tpu.memory_space<semaphore_mem>>
      %dma_wait3A_536 = arith.constant 0 : i32
      %dma_wait3A_537 = arith.constant 0 : i32
      %dma_wait3A_538 = tpu.memref_slice %arg2[%dma_wait3A_532, %dma_wait3A_536, %dma_wait3A_537] : memref<2048x64x2048xf32, #tpu.memory_space<hbm>> -> memref<1x64x2048xf32, #tpu.memory_space<hbm>>
      %dma_wait3A_539 = tpu.memref_squeeze %dma_wait3A_538 : memref<1x64x2048xf32, #tpu.memory_space<hbm>> -> memref<64x2048xf32, #tpu.memory_space<hbm>>
      %dma_wait3A_540 = arith.constant 0 : i32
      %dma_wait3A_541 = arith.constant 0 : i32
      %dma_wait3A_542 = tpu.memref_slice %arg3[%dma_wait3A_531, %dma_wait3A_540, %dma_wait3A_541] : memref<2x64x4096xf32, #tpu.memory_space<vmem>> -> memref<1x64x2048xf32, #tpu.memory_space<vmem>>
      %dma_wait3A_543 = tpu.memref_squeeze %dma_wait3A_542 : memref<1x64x2048xf32, #tpu.memory_space<vmem>> -> memref<64x2048xf32, #tpu.memory_space<vmem>>
      tpu.wait_dma2 semaphore(%dma_wait3A_535 : memref<!tpu.dma_semaphore, #tpu.memory_space<semaphore_mem>>) src(%dma_wait3A_543 : memref<64x2048xf32, #tpu.memory_space<vmem>>) dst(%dma_wait3A_539 : memref<64x2048xf32, #tpu.memory_space<hbm>>)
      %dma_wait3A_544 = arith.constant 0 : i32
      %dma_wait3A_545 = arith.constant 0 : i32
      %dma_wait3A_546 = arith.constant 1 : i32
      %dma_wait3A_547 = tpu.memref_slice %arg4[%dma_wait3A_546] : memref<2x!tpu.dma_semaphore, #tpu.memory_space<semaphore_mem>> -> memref<1x!tpu.dma_semaphore, #tpu.memory_space<semaphore_mem>>
      %dma_wait3A_548 = tpu.memref_squeeze %dma_wait3A_547 : memref<1x!tpu.dma_semaphore, #tpu.memory_space<semaphore_mem>> -> memref<!tpu.dma_semaphore, #tpu.memory_space<semaphore_mem>>
      %dma_wait3A_549 = arith.constant 0 : i32
      %dma_wait3A_550 = arith.constant 0 : i32
      %dma_wait3A_551 = tpu.memref_slice %arg2[%dma_wait3A_545, %dma_wait3A_549, %dma_wait3A_550] : memref<2048x64x2048xf32, #tpu.memory_space<hbm>> -> memref<1x64x2048xf32, #tpu.memory_space<hbm>>
      %dma_wait3A_552 = tpu.memref_squeeze %dma_wait3A_551 : memref<1x64x2048xf32, #tpu.memory_space<hbm>> -> memref<64x2048xf32, #tpu.memory_space<hbm>>
      %dma_wait3A_553 = arith.constant 0 : i32
      %dma_wait3A_554 = arith.constant 0 : i32
      %dma_wait3A_555 = tpu.memref_slice %arg3[%dma_wait3A_544, %dma_wait3A_553, %dma_wait3A_554] : memref<2x64x4096xf32, #tpu.memory_space<vmem>> -> memref<1x64x2048xf32, #tpu.memory_space<vmem>>
      %dma_wait3A_556 = tpu.memref_squeeze %dma_wait3A_555 : memref<1x64x2048xf32, #tpu.memory_space<vmem>> -> memref<64x2048xf32, #tpu.memory_space<vmem>>
      tpu.wait_dma2 semaphore(%dma_wait3A_548 : memref<!tpu.dma_semaphore, #tpu.memory_space<semaphore_mem>>) src(%dma_wait3A_556 : memref<64x2048xf32, #tpu.memory_space<vmem>>) dst(%dma_wait3A_552 : memref<64x2048xf32, #tpu.memory_space<hbm>>)
      %dma_wait3A_557 = arith.constant 0 : i32
      %dma_wait3A_558 = arith.constant 0 : i32
      %dma_wait3A_559 = arith.constant 1 : i32
      %dma_wait3A_560 = tpu.memref_slice %arg4[%dma_wait3A_559] : memref<2x!tpu.dma_semaphore, #tpu.memory_space<semaphore_mem>> -> memref<1x!tpu.dma_semaphore, #tpu.memory_space<semaphore_mem>>
      %dma_wait3A_561 = tpu.memref_squeeze %dma_wait3A_560 : memref<1x!tpu.dma_semaphore, #tpu.memory_space<semaphore_mem>> -> memref<!tpu.dma_semaphore, #tpu.memory_space<semaphore_mem>>
      %dma_wait3A_562 = arith.constant 0 : i32
      %dma_wait3A_563 = arith.constant 0 : i32
      %dma_wait3A_564 = tpu.memref_slice %arg2[%dma_wait3A_558, %dma_wait3A_562, %dma_wait3A_563] : memref<2048x64x2048xf32, #tpu.memory_space<hbm>> -> memref<1x64x2048xf32, #tpu.memory_space<hbm>>
      %dma_wait3A_565 = tpu.memref_squeeze %dma_wait3A_564 : memref<1x64x2048xf32, #tpu.memory_space<hbm>> -> memref<64x2048xf32, #tpu.memory_space<hbm>>
      %dma_wait3A_566 = arith.constant 0 : i32
      %dma_wait3A_567 = arith.constant 0 : i32
      %dma_wait3A_568 = tpu.memref_slice %arg3[%dma_wait3A_557, %dma_wait3A_566, %dma_wait3A_567] : memref<2x64x4096xf32, #tpu.memory_space<vmem>> -> memref<1x64x2048xf32, #tpu.memory_space<vmem>>
      %dma_wait3A_569 = tpu.memref_squeeze %dma_wait3A_568 : memref<1x64x2048xf32, #tpu.memory_space<vmem>> -> memref<64x2048xf32, #tpu.memory_space<vmem>>
      tpu.wait_dma2 semaphore(%dma_wait3A_561 : memref<!tpu.dma_semaphore, #tpu.memory_space<semaphore_mem>>) src(%dma_wait3A_569 : memref<64x2048xf32, #tpu.memory_space<vmem>>) dst(%dma_wait3A_565 : memref<64x2048xf32, #tpu.memory_space<hbm>>)
      %dma_wait3A_570 = arith.constant 0 : i32
      %dma_wait3A_571 = arith.constant 0 : i32
      %dma_wait3A_572 = arith.constant 1 : i32
      %dma_wait3A_573 = tpu.memref_slice %arg4[%dma_wait3A_572] : memref<2x!tpu.dma_semaphore, #tpu.memory_space<semaphore_mem>> -> memref<1x!tpu.dma_semaphore, #tpu.memory_space<semaphore_mem>>
      %dma_wait3A_574 = tpu.memref_squeeze %dma_wait3A_573 : memref<1x!tpu.dma_semaphore, #tpu.memory_space<semaphore_mem>> -> memref<!tpu.dma_semaphore, #tpu.memory_space<semaphore_mem>>
      %dma_wait3A_575 = arith.constant 0 : i32
      %dma_wait3A_576 = arith.constant 0 : i32
      %dma_wait3A_577 = tpu.memref_slice %arg2[%dma_wait3A_571, %dma_wait3A_575, %dma_wait3A_576] : memref<2048x64x2048xf32, #tpu.memory_space<hbm>> -> memref<1x64x2048xf32, #tpu.memory_space<hbm>>
      %dma_wait3A_578 = tpu.memref_squeeze %dma_wait3A_577 : memref<1x64x2048xf32, #tpu.memory_space<hbm>> -> memref<64x2048xf32, #tpu.memory_space<hbm>>
      %dma_wait3A_579 = arith.constant 0 : i32
      %dma_wait3A_580 = arith.constant 0 : i32
      %dma_wait3A_581 = tpu.memref_slice %arg3[%dma_wait3A_570, %dma_wait3A_579, %dma_wait3A_580] : memref<2x64x4096xf32, #tpu.memory_space<vmem>> -> memref<1x64x2048xf32, #tpu.memory_space<vmem>>
      %dma_wait3A_582 = tpu.memref_squeeze %dma_wait3A_581 : memref<1x64x2048xf32, #tpu.memory_space<vmem>> -> memref<64x2048xf32, #tpu.memory_space<vmem>>
      tpu.wait_dma2 semaphore(%dma_wait3A_574 : memref<!tpu.dma_semaphore, #tpu.memory_space<semaphore_mem>>) src(%dma_wait3A_582 : memref<64x2048xf32, #tpu.memory_space<vmem>>) dst(%dma_wait3A_578 : memref<64x2048xf32, #tpu.memory_space<hbm>>)
      %dma_wait3A_583 = arith.constant 0 : i32
      %dma_wait3A_584 = arith.constant 0 : i32
      %dma_wait3A_585 = arith.constant 1 : i32
      %dma_wait3A_586 = tpu.memref_slice %arg4[%dma_wait3A_585] : memref<2x!tpu.dma_semaphore, #tpu.memory_space<semaphore_mem>> -> memref<1x!tpu.dma_semaphore, #tpu.memory_space<semaphore_mem>>
      %dma_wait3A_587 = tpu.memref_squeeze %dma_wait3A_586 : memref<1x!tpu.dma_semaphore, #tpu.memory_space<semaphore_mem>> -> memref<!tpu.dma_semaphore, #tpu.memory_space<semaphore_mem>>
      %dma_wait3A_588 = arith.constant 0 : i32
      %dma_wait3A_589 = arith.constant 0 : i32
      %dma_wait3A_590 = tpu.memref_slice %arg2[%dma_wait3A_584, %dma_wait3A_588, %dma_wait3A_589] : memref<2048x64x2048xf32, #tpu.memory_space<hbm>> -> memref<1x64x2048xf32, #tpu.memory_space<hbm>>
      %dma_wait3A_591 = tpu.memref_squeeze %dma_wait3A_590 : memref<1x64x2048xf32, #tpu.memory_space<hbm>> -> memref<64x2048xf32, #tpu.memory_space<hbm>>
      %dma_wait3A_592 = arith.constant 0 : i32
      %dma_wait3A_593 = arith.constant 0 : i32
      %dma_wait3A_594 = tpu.memref_slice %arg3[%dma_wait3A_583, %dma_wait3A_592, %dma_wait3A_593] : memref<2x64x4096xf32, #tpu.memory_space<vmem>> -> memref<1x64x2048xf32, #tpu.memory_space<vmem>>
      %dma_wait3A_595 = tpu.memref_squeeze %dma_wait3A_594 : memref<1x64x2048xf32, #tpu.memory_space<vmem>> -> memref<64x2048xf32, #tpu.memory_space<vmem>>
      tpu.wait_dma2 semaphore(%dma_wait3A_587 : memref<!tpu.dma_semaphore, #tpu.memory_space<semaphore_mem>>) src(%dma_wait3A_595 : memref<64x2048xf32, #tpu.memory_space<vmem>>) dst(%dma_wait3A_591 : memref<64x2048xf32, #tpu.memory_space<hbm>>)
      %dma_wait3A_596 = arith.constant 0 : i32
      %dma_wait3A_597 = arith.constant 0 : i32
      %dma_wait3A_598 = arith.constant 1 : i32
      %dma_wait3A_599 = tpu.memref_slice %arg4[%dma_wait3A_598] : memref<2x!tpu.dma_semaphore, #tpu.memory_space<semaphore_mem>> -> memref<1x!tpu.dma_semaphore, #tpu.memory_space<semaphore_mem>>
      %dma_wait3A_600 = tpu.memref_squeeze %dma_wait3A_599 : memref<1x!tpu.dma_semaphore, #tpu.memory_space<semaphore_mem>> -> memref<!tpu.dma_semaphore, #tpu.memory_space<semaphore_mem>>
      %dma_wait3A_601 = arith.constant 0 : i32
      %dma_wait3A_602 = arith.constant 0 : i32
      %dma_wait3A_603 = tpu.memref_slice %arg2[%dma_wait3A_597, %dma_wait3A_601, %dma_wait3A_602] : memref<2048x64x2048xf32, #tpu.memory_space<hbm>> -> memref<1x64x2048xf32, #tpu.memory_space<hbm>>
      %dma_wait3A_604 = tpu.memref_squeeze %dma_wait3A_603 : memref<1x64x2048xf32, #tpu.memory_space<hbm>> -> memref<64x2048xf32, #tpu.memory_space<hbm>>
      %dma_wait3A_605 = arith.constant 0 : i32
      %dma_wait3A_606 = arith.constant 0 : i32
      %dma_wait3A_607 = tpu.memref_slice %arg3[%dma_wait3A_596, %dma_wait3A_605, %dma_wait3A_606] : memref<2x64x4096xf32, #tpu.memory_space<vmem>> -> memref<1x64x2048xf32, #tpu.memory_space<vmem>>
      %dma_wait3A_608 = tpu.memref_squeeze %dma_wait3A_607 : memref<1x64x2048xf32, #tpu.memory_space<vmem>> -> memref<64x2048xf32, #tpu.memory_space<vmem>>
      tpu.wait_dma2 semaphore(%dma_wait3A_600 : memref<!tpu.dma_semaphore, #tpu.memory_space<semaphore_mem>>) src(%dma_wait3A_608 : memref<64x2048xf32, #tpu.memory_space<vmem>>) dst(%dma_wait3A_604 : memref<64x2048xf32, #tpu.memory_space<hbm>>)
      %dma_wait3A_609 = arith.constant 0 : i32
      %dma_wait3A_610 = arith.constant 0 : i32
      %dma_wait3A_611 = arith.constant 1 : i32
      %dma_wait3A_612 = tpu.memref_slice %arg4[%dma_wait3A_611] : memref<2x!tpu.dma_semaphore, #tpu.memory_space<semaphore_mem>> -> memref<1x!tpu.dma_semaphore, #tpu.memory_space<semaphore_mem>>
      %dma_wait3A_613 = tpu.memref_squeeze %dma_wait3A_612 : memref<1x!tpu.dma_semaphore, #tpu.memory_space<semaphore_mem>> -> memref<!tpu.dma_semaphore, #tpu.memory_space<semaphore_mem>>
      %dma_wait3A_614 = arith.constant 0 : i32
      %dma_wait3A_615 = arith.constant 0 : i32
      %dma_wait3A_616 = tpu.memref_slice %arg2[%dma_wait3A_610, %dma_wait3A_614, %dma_wait3A_615] : memref<2048x64x2048xf32, #tpu.memory_space<hbm>> -> memref<1x64x2048xf32, #tpu.memory_space<hbm>>
      %dma_wait3A_617 = tpu.memref_squeeze %dma_wait3A_616 : memref<1x64x2048xf32, #tpu.memory_space<hbm>> -> memref<64x2048xf32, #tpu.memory_space<hbm>>
      %dma_wait3A_618 = arith.constant 0 : i32
      %dma_wait3A_619 = arith.constant 0 : i32
      %dma_wait3A_620 = tpu.memref_slice %arg3[%dma_wait3A_609, %dma_wait3A_618, %dma_wait3A_619] : memref<2x64x4096xf32, #tpu.memory_space<vmem>> -> memref<1x64x2048xf32, #tpu.memory_space<vmem>>
      %dma_wait3A_621 = tpu.memref_squeeze %dma_wait3A_620 : memref<1x64x2048xf32, #tpu.memory_space<vmem>> -> memref<64x2048xf32, #tpu.memory_space<vmem>>
      tpu.wait_dma2 semaphore(%dma_wait3A_613 : memref<!tpu.dma_semaphore, #tpu.memory_space<semaphore_mem>>) src(%dma_wait3A_621 : memref<64x2048xf32, #tpu.memory_space<vmem>>) dst(%dma_wait3A_617 : memref<64x2048xf32, #tpu.memory_space<hbm>>)
      %dma_wait3A_622 = arith.constant 0 : i32
      %dma_wait3A_623 = arith.constant 0 : i32
      %dma_wait3A_624 = arith.constant 1 : i32
      %dma_wait3A_625 = tpu.memref_slice %arg4[%dma_wait3A_624] : memref<2x!tpu.dma_semaphore, #tpu.memory_space<semaphore_mem>> -> memref<1x!tpu.dma_semaphore, #tpu.memory_space<semaphore_mem>>
      %dma_wait3A_626 = tpu.memref_squeeze %dma_wait3A_625 : memref<1x!tpu.dma_semaphore, #tpu.memory_space<semaphore_mem>> -> memref<!tpu.dma_semaphore, #tpu.memory_space<semaphore_mem>>
      %dma_wait3A_627 = arith.constant 0 : i32
      %dma_wait3A_628 = arith.constant 0 : i32
      %dma_wait3A_629 = tpu.memref_slice %arg2[%dma_wait3A_623, %dma_wait3A_627, %dma_wait3A_628] : memref<2048x64x2048xf32, #tpu.memory_space<hbm>> -> memref<1x64x2048xf32, #tpu.memory_space<hbm>>
      %dma_wait3A_630 = tpu.memref_squeeze %dma_wait3A_629 : memref<1x64x2048xf32, #tpu.memory_space<hbm>> -> memref<64x2048xf32, #tpu.memory_space<hbm>>
      %dma_wait3A_631 = arith.constant 0 : i32
      %dma_wait3A_632 = arith.constant 0 : i32
      %dma_wait3A_633 = tpu.memref_slice %arg3[%dma_wait3A_622, %dma_wait3A_631, %dma_wait3A_632] : memref<2x64x4096xf32, #tpu.memory_space<vmem>> -> memref<1x64x2048xf32, #tpu.memory_space<vmem>>
      %dma_wait3A_634 = tpu.memref_squeeze %dma_wait3A_633 : memref<1x64x2048xf32, #tpu.memory_space<vmem>> -> memref<64x2048xf32, #tpu.memory_space<vmem>>
      tpu.wait_dma2 semaphore(%dma_wait3A_626 : memref<!tpu.dma_semaphore, #tpu.memory_space<semaphore_mem>>) src(%dma_wait3A_634 : memref<64x2048xf32, #tpu.memory_space<vmem>>) dst(%dma_wait3A_630 : memref<64x2048xf32, #tpu.memory_space<hbm>>)
      %dma_wait3A_635 = arith.constant 0 : i32
      %dma_wait3A_636 = arith.constant 0 : i32
      %dma_wait3A_637 = arith.constant 1 : i32
      %dma_wait3A_638 = tpu.memref_slice %arg4[%dma_wait3A_637] : memref<2x!tpu.dma_semaphore, #tpu.memory_space<semaphore_mem>> -> memref<1x!tpu.dma_semaphore, #tpu.memory_space<semaphore_mem>>
      %dma_wait3A_639 = tpu.memref_squeeze %dma_wait3A_638 : memref<1x!tpu.dma_semaphore, #tpu.memory_space<semaphore_mem>> -> memref<!tpu.dma_semaphore, #tpu.memory_space<semaphore_mem>>
      %dma_wait3A_640 = arith.constant 0 : i32
      %dma_wait3A_641 = arith.constant 0 : i32
      %dma_wait3A_642 = tpu.memref_slice %arg2[%dma_wait3A_636, %dma_wait3A_640, %dma_wait3A_641] : memref<2048x64x2048xf32, #tpu.memory_space<hbm>> -> memref<1x64x2048xf32, #tpu.memory_space<hbm>>
      %dma_wait3A_643 = tpu.memref_squeeze %dma_wait3A_642 : memref<1x64x2048xf32, #tpu.memory_space<hbm>> -> memref<64x2048xf32, #tpu.memory_space<hbm>>
      %dma_wait3A_644 = arith.constant 0 : i32
      %dma_wait3A_645 = arith.constant 0 : i32
      %dma_wait3A_646 = tpu.memref_slice %arg3[%dma_wait3A_635, %dma_wait3A_644, %dma_wait3A_645] : memref<2x64x4096xf32, #tpu.memory_space<vmem>> -> memref<1x64x2048xf32, #tpu.memory_space<vmem>>
      %dma_wait3A_647 = tpu.memref_squeeze %dma_wait3A_646 : memref<1x64x2048xf32, #tpu.memory_space<vmem>> -> memref<64x2048xf32, #tpu.memory_space<vmem>>
      tpu.wait_dma2 semaphore(%dma_wait3A_639 : memref<!tpu.dma_semaphore, #tpu.memory_space<semaphore_mem>>) src(%dma_wait3A_647 : memref<64x2048xf32, #tpu.memory_space<vmem>>) dst(%dma_wait3A_643 : memref<64x2048xf32, #tpu.memory_space<hbm>>)
      %dma_wait3A_648 = arith.constant 0 : i32
      %dma_wait3A_649 = arith.constant 0 : i32
      %dma_wait3A_650 = arith.constant 1 : i32
      %dma_wait3A_651 = tpu.memref_slice %arg4[%dma_wait3A_650] : memref<2x!tpu.dma_semaphore, #tpu.memory_space<semaphore_mem>> -> memref<1x!tpu.dma_semaphore, #tpu.memory_space<semaphore_mem>>
      %dma_wait3A_652 = tpu.memref_squeeze %dma_wait3A_651 : memref<1x!tpu.dma_semaphore, #tpu.memory_space<semaphore_mem>> -> memref<!tpu.dma_semaphore, #tpu.memory_space<semaphore_mem>>
      %dma_wait3A_653 = arith.constant 0 : i32
      %dma_wait3A_654 = arith.constant 0 : i32
      %dma_wait3A_655 = tpu.memref_slice %arg2[%dma_wait3A_649, %dma_wait3A_653, %dma_wait3A_654] : memref<2048x64x2048xf32, #tpu.memory_space<hbm>> -> memref<1x64x2048xf32, #tpu.memory_space<hbm>>
      %dma_wait3A_656 = tpu.memref_squeeze %dma_wait3A_655 : memref<1x64x2048xf32, #tpu.memory_space<hbm>> -> memref<64x2048xf32, #tpu.memory_space<hbm>>
      %dma_wait3A_657 = arith.constant 0 : i32
      %dma_wait3A_658 = arith.constant 0 : i32
      %dma_wait3A_659 = tpu.memref_slice %arg3[%dma_wait3A_648, %dma_wait3A_657, %dma_wait3A_658] : memref<2x64x4096xf32, #tpu.memory_space<vmem>> -> memref<1x64x2048xf32, #tpu.memory_space<vmem>>
      %dma_wait3A_660 = tpu.memref_squeeze %dma_wait3A_659 : memref<1x64x2048xf32, #tpu.memory_space<vmem>> -> memref<64x2048xf32, #tpu.memory_space<vmem>>
      tpu.wait_dma2 semaphore(%dma_wait3A_652 : memref<!tpu.dma_semaphore, #tpu.memory_space<semaphore_mem>>) src(%dma_wait3A_660 : memref<64x2048xf32, #tpu.memory_space<vmem>>) dst(%dma_wait3A_656 : memref<64x2048xf32, #tpu.memory_space<hbm>>)
    } else {
    }
    return
  }
  func.func @transform_0(%arg0: i32) -> (i32, i32) {
    %c0_i32 = arith.constant 0 : i32
    %c0_i32_0 = arith.constant 0 : i32
    %c0_i32_1 = arith.constant 0 : i32
    return %c0_i32, %c0_i32_0 : i32, i32
  }
}

</mosaic_0001>

<sc_bundles>
// kernel: kernel.4.cloned.1.call-start
scs
__scs_entry_jumppad:
0x0: {  	(pc) =	sbr.rel $0x88, $3  }
0x1: {  	(tag) =	ssettag $0x0;
	lr =	simm.s32 $0x1  }
0x2: {  	[smem:$0x3FA0] =	sst lr;
	_ =	strace $0xD0000000  }
0x3: {  	_ = 	snop  }
0x4: {  	_ = 	snop  }
0x5: {  	_ = 	snop  }
0x6: {  	_ = 	snop  }
0x7: {  	_ = 	snop  }
__scs_overlays_trampoline_lowered:
0x8: {  	[smem:$0x3FAF] =	sst s0  }
0x9: {  	[smem:$0x3FB0] =	sst s1  }
0xa: {  	[smem:$0x3FB1] =	sst s2  }
0xb: {  	[smem:$0x3FB2] =	sst s3  }
0xc: {  	[smem:$0x3FB3] =	sst s4  }
0xd: {  	[smem:$0x3FB4] =	sst s5  }
0xe: {  	[smem:$0x3FB5] =	sst s6  }
0xf: {  	[smem:$0x3FB6] =	sst s7  }
0x10: {  	[smem:$0x3FB7] =	sst s8  }
0x11: {  	[smem:$0x3FB8] =	sst s9;
	s0 =	simm.s32 @!p0 $0x0  }
0x12: {  	s1 =	sld [smem:$0x3F9E];
	s0 =	simm.s32 @p0 $0x1  }
0x13: {  	[smem:$0x3FB9] =	sst s0;
	s0 =	simm.s32 @!p1 $0x0  }
0x14: {  	s2 =	sld [smem:$0x3F9D];
	s0 =	simm.s32 @p1 $0x1  }
0x15: {  	[smem:$0x3FBA] =	sst s0;
	s0 =	simm.s32 @!p2 $0x0  }
0x16: {  	s3 =	sld [smem:$0x3FDB];
	s0 =	simm.s32 @p2 $0x1  }
0x17: {  	s4 =	simm.s32 $0x1BF5;
	[smem:$0x3FBC] =	sst s0  }
0x18: {  	s0 =	sld [smem:$0x3F9F];
	_ =	swait.ge [sflag:s4], $0x0  }
0x19: {  	s7 =	sld [smem:$0x3FA0]  }
0x1a: {  	s8 =	sadd.s32 $0xFFFFE003, lr  }
0x1b: {  	s9 =	sadd.s32 $0xFFFFFEF7, lr;
	s5 =	simm.s32 $0xFFFFFFFF;
	p2 =	slt.u32 s8, $0xFFFFF086  }
0x1c: {  	p1 =	slt.u32 s9, $0xF7A;
	s5 =	simm.s32 @!p2 $0x0  }
0x1d: {  	s5 =	simm.s32 @p1 $0x1;
	p0 =	seq.s32 s7, s2  }
0x1e: {  	s7 =	smul.u32 @!p0 $0xF7A, s2;
	p2 =	seq.s32 @!p0 s5, $0x0  }
0x1f: {  	s9 =	smul.u32 $0xF7A, s1;
	s8 =	simm.s32 @!p0 $0x1BF5;
	p2 =	por !p2, p0  }
0x20: {  	[sflag:s8] =	ssyncset.s32 @!p0 $0xFFFFF086;
	s6 =	sadd.s32 @!p0 s3, s7;
	s7 =	simm.s32 @!p0 $0x108  }
0x21: {  	s3 =	sadd.s32 s3, s9;
	s6 =	sadd.s32 @!p0 $0x88, s6;
	s7 =	simm.s32 @p2 $0x1082  }
0x22: {  	[simem:s7], [sflag:s8] =	dma.local @!p0 [hbm:s6], $0xF7A  }
0x23: {  	s9 =	sor.u32 $0xD0000000, s2;
	s6 =	simm.s32 $0x108;
	_ =	swait.ge @!p0 [sflag:s8], $0x0  }
0x24: {  	s3 =	sadd.s32 $0x88, s3;
	s6 =	simm.s32 @!p1 $0x1082;
	[sflag:s4] =	ssyncset.s32 $0xFFFFF086  }
0x25: {  	[simem:s6], [sflag:s4] =	dma.local [hbm:s3], $0xF7A  }
0x26: {  	[smem:$0x3FA0] =	sst s1;
	(tag) =	ssettag s2;
	_ =	strace s9  }
0x27: {  	s1 =	sld [smem:$0x3FB0]  }
0x28: {  	s2 =	sld [smem:$0x3FB1]  }
0x29: {  	s4 =	sld [smem:$0x3FB3]  }
0x2a: {  	p0 =	seq.s32 s5, $0x0;
	s5 =	sld [smem:$0x3FB4]  }
0x2b: {  	s6 =	sld [smem:$0x3FB5]  }
0x2c: {  	s7 =	sld [smem:$0x3FB6]  }
0x2d: {  	s3 =	simm.s32 $0x108;
	s8 =	sld [smem:$0x3FB7]  }
0x2e: {  	s3 =	simm.s32 @!p0 $0x1082;
	s9 =	sld [smem:$0x3FB8]  }
0x2f: {  	lr =	sadd.s32 s0, s3;
	s0 =	sld [smem:$0x3FAF]  }
0x30: {  	s3 =	sld [smem:$0x3FB2]  }
0x31: {  	[smem:$0x3FBB] =	sst s10  }
0x32: {  	s10 =	sld [smem:$0x3FB9];
	_ =	sdelay $0x3  }
0x33: {  	p0 =	seq.s32 s10, $0x1;
	s10 =	sld [smem:$0x3FBB];
	_ =	sdelay $0x3  }
0x34: {  	[smem:$0x3FBB] =	sst s10  }
0x35: {  	s10 =	sld [smem:$0x3FBA];
	_ =	sdelay $0x3  }
0x36: {  	p1 =	seq.s32 s10, $0x1;
	s10 =	sld [smem:$0x3FBB];
	_ =	sdelay $0x3  }
0x37: {  	[smem:$0x3FBB] =	sst s10  }
0x38: {  	s10 =	sld [smem:$0x3FBC]  }
0x39: {  	_ = 	snop;
	(pc) =	sbr.ind lr, $3  }
0x3a: {  	_ = 	snop  }
0x3b: {  	_ = 	snop  }
0x3c: {  	p2 =	seq.s32 s10, $0x1;
	s10 =	sld [smem:$0x3FBB]  }
0x3d: {  	_ =	shalt  }
0x3e: {  	_ =	shalt  }
0x3f: {  	_ =	shalt  }
0x40: {  	_ =	shalt  }
0x41: {  	_ =	shalt  }
0x42: {  	_ =	shalt  }
0x43: {  	_ =	shalt  }
0x44: {  	_ =	shalt  }
0x45: {  	_ =	shalt  }
0x46: {  	_ =	shalt  }
0x47: {  	_ =	shalt  }
0x48: {  	_ =	shalt  }
0x49: {  	_ =	shalt  }
0x4a: {  	_ =	shalt  }
0x4b: {  	_ =	shalt  }
0x4c: {  	_ =	shalt  }
0x4d: {  	_ =	shalt  }
0x4e: {  	_ =	shalt  }
0x4f: {  	_ =	shalt  }
0x50: {  	_ =	shalt  }
0x51: {  	_ =	shalt  }
0x52: {  	_ =	shalt  }
0x53: {  	_ =	shalt  }
0x54: {  	_ =	shalt  }
0x55: {  	_ =	shalt  }
0x56: {  	_ =	shalt  }
0x57: {  	_ =	shalt  }
0x58: {  	_ =	shalt  }
0x59: {  	_ =	shalt  }
0x5a: {  	_ =	shalt  }
0x5b: {  	_ =	shalt  }
0x5c: {  	_ =	shalt  }
0x5d: {  	_ =	shalt  }
0x5e: {  	_ =	shalt  }
0x5f: {  	_ =	shalt  }
0x60: {  	_ =	shalt  }
0x61: {  	_ =	shalt  }
0x62: {  	_ =	shalt  }
0x63: {  	_ =	shalt  }
0x64: {  	_ =	shalt  }
0x65: {  	_ =	shalt  }
0x66: {  	_ =	shalt  }
0x67: {  	_ =	shalt  }
0x68: {  	_ =	shalt  }
0x69: {  	_ =	shalt  }
0x6a: {  	_ =	shalt  }
0x6b: {  	_ =	shalt  }
0x6c: {  	_ =	shalt  }
0x6d: {  	_ =	shalt  }
0x6e: {  	_ =	shalt  }
0x6f: {  	_ =	shalt  }
0x70: {  	_ =	shalt  }
0x71: {  	_ =	shalt  }
0x72: {  	_ =	shalt  }
0x73: {  	_ =	shalt  }
0x74: {  	_ =	shalt  }
0x75: {  	_ =	shalt  }
0x76: {  	_ =	shalt  }
0x77: {  	_ =	shalt  }
0x78: {  	_ =	shalt  }
0x79: {  	_ =	shalt  }
0x7a: {  	_ =	shalt  }
0x7b: {  	_ =	shalt  }
0x7c: {  	_ =	shalt  }
0x7d: {  	_ =	shalt  }
0x7e: {  	_ =	shalt  }
0x7f: {  	_ =	shalt  }
0x80: {  	_ =	shalt  }
0x81: {  	_ =	shalt  }
0x82: {  	_ =	shalt  }
0x83: {  	_ =	shalt  }
0x84: {  	_ =	shalt  }
0x85: {  	_ =	shalt  }
0x86: {  	_ =	shalt  }
0x87: {  	_ =	shalt  }
.Lfunc_end0:
.L_simem_size_0:
called_computation_lowered:
.L_overlay_start_0:
0x88: {  	s2 =	sld [smem:$0x3FD9]  }
0x89: {  	s3 =	sld [smem:$0x3FFE];
	_ =	sdelay $0x1  }
0x8a: {  	s1 =	srdreg.scid  }
0x8b: {  	s0 =	sand.u32 $0x1, s1  }
0x8c: {  	s17 =	sshll.u32 s0, $0xA;
	s2 =	sadd.s32 s3, s2  }
0x8d: {  	s2 =	sadd.s32 s2, s17  }
0x8e: {  	[smem:$0x3FC7] =	sst s2  }
0x8f: {  	_ = 	snop  }
0x90: {  	s2 =	sld [smem:$0x3FD0];
	(tm) =	ssettm $0x1  }
0x91: {  	s18 =	sld [smem:$0x3FFB];
	_ =	sdelay $0x3  }
0x92: {  	_ =	strace s18  }
0x93: {  	s3 =	sld [smem:$0x3FFC];
	_ =	sdelay $0x3  }
0x94: {  	_ =	strace s3  }
0x95: {  	s3 =	sld [smem:$0x3FFD];
	_ =	sdelay $0x3  }
0x96: {  	_ =	strace s3  }
0x97: {  	_ =	strace $0x8FFFFFFF  }
0x98: {  	s19 =	sld [smem:$0x3FDB];
	_ =	sdelay $0x1  }
0x99: {  	s4 =	simm.s32 $_scs_section_size  }
0x9a: {  	s5 =	simm.s32 $_size__tile_overlayer_lowered;
	s6 =	simm.s32 $_tile_overlayer_lowered  }
0x9b: {  	s22 =	simm.s32 $0x1BFF;
	s21 =	sshll.u32 s6, $0x1;
	s3 =	sadd.s32 s4, s19  }
0x9c: {  	s7 =	simm.s32 $0x0;
	s20 =	sshll.u32 s5, $0x1;
	s5 =	sadd.s32 s21, s3  }
0x9d: {  	[timem:s7], [sflag:s22] =	dma.local [hbm:s5], s20  }
0x9e: {  	_ =	swait.ge [sflag:s22], s20  }
0x9f: {  	s4 =	ssub.s32 $0x0, s20;
	[sflag:s22] =	ssyncset.done $0x0  }
0xa0: {  	[sflag:s22] =	ssyncadd.s32 s4;
	_ =	sdelay $0x1  }
0xa1: {  	s23 =	simm.s32 $0x1B8B  }
0xa2: {  	_ =	swait.ge [sflag:s23], $0x1  }
0xa3: {  	[sflag:s23] =	ssyncset.done $0x0  }
0xa4: {  	s25 =	simm.s32 $0x1B8E;
	s24 =	sld [smem:$0x3FFE];
	[sflag:s23] =	ssyncadd.s32 $0xFFFFFFFF  }
0xa5: {  	s26 =	simm.s32 $execute0_lowered;
	[smem:$0x3FD2] =	sst s25  }
0xa6: {  	s5 =	sshll.u32 s26, $0x1;
	_ =	strace $0x80000046;
	[dreg:$0x1] =	wrdreg $0xFFFFFFFF  }
0xa7: {  	s28 =	simm.s32 $_size_execute0_lowered;
	s3 =	sadd.s32 s3, s5;
	[dreg:$0x0] =	wrdreg $0x0  }
0xa8: {  	s5 =	sshll.u32 s28, $0x1;
	[dreg:$0x2] =	wrdreg s3  }
0xa9: {  	[dreg:$0x3] =	wrdreg s5  }
0xaa: {  	[dreg:$0x4] =	wrdreg $0xC0  }
0xab: {  	_ =	task [dreg:s7], $0x5FFFF  }
0xac: {  	[dreg:$0x1] =	wrdreg $0xFFFFFFFF  }
0xad: {  	[dreg:$0x0] =	wrdreg $0x60  }
0xae: {  	[dreg:$0x2] =	wrdreg s24  }
0xaf: {  	[dreg:$0x3] =	wrdreg s2  }
0xb0: {  	[dreg:$0x4] =	wrdreg $0x9  }
0xb1: {  	_ =	task.clear_ibuf [dreg:s7], $0x5FFFF;
	_ =	strace $0x90000046  }
0xb2: {  	s29 =	simm.s32 $0x9;
	_ =	strace $0x80000048  }
0xb3: {  	_ =	swait.ge [sflag:s29], $0x1  }
0xb4: {  	[sflag:s29] =	ssyncadd.s32 $0xFFFFFFFF  }
0xb5: {  	_ =	strace $0x90000048  }
0xb6: {  	_ =	sfence  }
0xb7: {  	s30 =	sld [smem:$0x0];
	_ =	sdelay $0x2  }
0xb8: {  	s31 =	sshll.u32 s1, $0xD;
	s1 =	sshrl.u32 s1, $0x2  }
0xb9: {  	s3 =	sand.u32 $0x4000, s31;
	s1 =	sadd.s32 s1, s30  }
0xba: {  	s0 =	sor.u32 s3, s0;
	s1 =	sshll.u32 s1, $0x11  }
0xbb: {  	s0 =	sor.u32 s1, s0  }
0xbc: {  	s0 =	sadd.s32 $0x8F2B, s0  }
0xbd: {  	[sflag:s0] =	ssyncadd.remote.s32 $0x1  }
0xbe: {  	_ =	sfence.sel $0xFFFF  }
0xbf: {  	[dreg:$0x0] =	wrdreg $0xFFFFFFFF;
	(pc) =	sbr.abs _section_cstart, $3  }
0xc0: {  	[dreg:$0x1] =	wrdreg $0xFFFFFFFF  }
0xc1: {  	_ =	task.clear_ibuf [dreg:s7], $0x2FFFF;
	_ =	strace $0x9FFFFFFF  }
0xc2: {  	(tm) =	ssettm $0x7FFFFFFF  }
0xc3: {  	_ =	shalt  }
tec
execute0_lowered:
.L_overlay_start_1:
0x0: {  	(tag) =	ssettag $0x1  }
0x1: {  	s3 =	rddreg [dreg:$0x0]  }
0x2: {  	s4 =	rddreg [dreg:$0x1]  }
0x3: {  	s0 =	rddreg [dreg:$0x2];
	s1 =	simm.s32 $0x0  }
0x4: {  	s2 =	srdreg.scid;
	s10 =	simm.s32 $0x0;
	[smem:$0x7FF] =	sst s1  }
0x5: {  	s5 =	sand.u32 $0x1, s2;
	s2 =	stileid.u32;
	s3 =	sadd.s32 $0x400, s3  }
0x6: {  	_ =	strace $0x80000047;
	s6 =	ssub.s32 $0x2, s5;
	s8 =	sshll.u32 s2, $0xB  }
0x7: {  	s9 =	sshll.u32 s5, $0xA;
	s30 =	sshll.u32 s2, $0x8;
	s31 =	sshll.u32 s5, $0x7  }
0x8: {  	s7 =	sshrl.u32 s6, $0x1;
	s29 =	sor.u32 s9, s8;
	s8 =	simm.s32 $0x2040  }
0x9: {  	s9 =	simm.s32 $0x2;
	s6 =	ssub.s32 s6, s7;
	s4 =	sadd.s32 s4, s29  }
0xa: {  	s7 =	simm.s32 $0x1;
	s5 =	smax.u32 s6, $0x1;
	s6 =	sor.u32 s31, s30  }
.LBB2_1:
0xb: {  	[tilespmem:s1], [sflag:$0x1] =	stream.linear.gather [hbm4b:s3+s1], $0x2040, $0x38;
	[tilespmem:$0x4040] =	vst v63  }
0xc: {  	s11 =	sadd.s32 $0x0, s6  }
0xd: {  	p0 =	sgt.s32 s11, $0x7BF  }
0xe: {  	_ =	swait.ge [sflag:s7], $0x2040;
	s11 =	simm.s32 @!p0 $0x7BF  }
0xf: {  	[sflag:s7] =	ssyncset.done $0x0;
	s11 =	smin.u32 s11, $0x83F  }
0x10: {  	[sflag:s7] =	ssyncadd.s32 $0xFFFFDFC0;
	s12 =	sshll.u32 s11, $0x6  }
0x11: {  	v0 =	vld [tilespmem:s12+$0xFFFE1040];
	_ =	sdelay $0x3  }
0x12: {  	s11 =	simm.s32 $0x2060  }
0x13: {  	[tilespmem:s11+$0xFFFFFFE0] =	vst v0  }
0x14: {  	v0 =	vld [tilespmem:s12+$0xFFFE1050];
	_ =	sdelay $0x4  }
0x15: {  	[tilespmem:s11+$0xFFFFFFF0] =	vst v0  }
0x16: {  	v0 =	vld [tilespmem:s12+$0xFFFE1060];
	_ =	sdelay $0x4  }
0x17: {  	[tilespmem:s11+$0x0] =	vst v0  }
0x18: {  	v0 =	vld [tilespmem:s12+$0xFFFE1070]  }
0x19: {  	s13 =	sadd.s32 $0x1, s6;
	s12 =	simm.s32 $0x2  }
.LBB2_2:
0x1a: {  	p0 =	sne.s32 s12, $0x7F;
	p1 =	sgt.s32 s13, $0x7BF  }
0x1b: {  	s13 =	simm.s32 @!p1 $0x7BF  }
0x1c: {  	s13 =	smin.u32 s13, $0x83F  }
0x1d: {  	s13 =	sshll.u32 s13, $0x6;
	[tilespmem:s11+$0x10] =	vst v0  }
0x1e: {  	v0 =	vld [tilespmem:s13+$0xFFFE1040];
	_ =	sdelay $0x3  }
0x1f: {  	s11 =	sadd.s32 $0x40, s11  }
0x20: {  	[tilespmem:s11+$0xFFFFFFE0] =	vst v0  }
0x21: {  	v0 =	vld [tilespmem:s13+$0xFFFE1050];
	_ =	sdelay $0x4  }
0x22: {  	[tilespmem:s11+$0xFFFFFFF0] =	vst v0  }
0x23: {  	v0 =	vld [tilespmem:s13+$0xFFFE1060];
	_ =	sdelay $0x2  }
.Ltmp0:
0x24: {  	(pc) =	sbr.rel @p0 .LBB2_2-.Ltmp0, $4  }
0x25: {  	_ = 	snop  }
0x26: {  	[tilespmem:s11+$0x0] =	vst v0  }
0x27: {  	v0 =	vld [tilespmem:s13+$0xFFFE1070]  }
0x28: {  	s13 =	sadd.s32 s12, s6;
	s12 =	sadd.s32 $0x1, s12  }
0x29: {  	p0 =	sgt.s32 s13, $0x7BF  }
0x2a: {  	s13 =	simm.s32 @!p0 $0x7BF  }
0x2b: {  	s12 =	smin.u32 s13, $0x83F  }
0x2c: {  	s12 =	sshll.u32 s12, $0x6;
	[tilespmem:s11+$0x10] =	vst v0  }
0x2d: {  	v0 =	vld [tilespmem:s12+$0xFFFE1040];
	_ =	sdelay $0x3  }
0x2e: {  	s31 =	sadd.s32 $0x40, s11  }
0x2f: {  	[tilespmem:s31+$0xFFFFFFE0] =	vst v0  }
0x30: {  	v0 =	vld [tilespmem:s12+$0xFFFE1050];
	_ =	sdelay $0x4  }
0x31: {  	[tilespmem:s31+$0xFFFFFFF0] =	vst v0  }
0x32: {  	v0 =	vld [tilespmem:s12+$0xFFFE1060];
	_ =	sdelay $0x4  }
0x33: {  	[tilespmem:s31+$0x0] =	vst v0  }
0x34: {  	v0 =	vld [tilespmem:s12+$0xFFFE1070];
	_ =	sdelay $0x2  }
0x35: {  	s10 =	sadd.s32 $0x1, s10  }
0x36: {  	p0 =	sne.s32 s10, s5  }
.Ltmp1:
0x37: {  	[tilespmem:s31+$0x10] =	vst v0;
	(pc) =	sbr.rel @p0 .LBB2_1-.Ltmp1, $4  }
0x38: {  	[hbm4b:s4+s1] =	stream.linear.scatter [tilespmem:s8], [sflag:$0x2], $0x2000, $0x38;
	[tilespmem:$0x4040] =	vst v63  }
0x39: {  	_ =	swait.ge [sflag:s9], $0x2000  }
0x3a: {  	[sflag:s9] =	ssyncset.done $0x0  }
0x3b: {  	[sflag:s9] =	ssyncadd.s32 $0xFFFFE000  }
0x3c: {  	_ =	sfence.sel $0x180000  }
0x3d: {  	[bflag:$0x0] =	sbarrier.arrive $0xFFFF  }
0x3e: {  	p0 =	sne.s32 s2, $0x0;
	_ =	strace $0x90000047  }
0x3f: {  	s0 =	sadd.s32 @!p0 $0x100000, s0;
	[bflag:$0x2] =	sbarrier.arrive $0xFFFF  }
0x40: {  	[sflag:s0] =	ssyncadd.tile.s32 @!p0 $0x1;
	_ =	shalt  }
.Lfunc_end2:
_tile_overlayer_lowered:
.L_overlay_start_2:
0x41: {  	(tag) =	ssettag $0x2  }
0x42: {  	s0 =	rddreg [dreg:$0x0];
	s2 =	stileid.u32  }
0x43: {  	s1 =	rddreg [dreg:$0x1];
	p0 =	sne.s32 s2, $0x0  }
0x44: {  	s3 =	rddreg [dreg:$0x2];
	[bflag:$0x3] =	sbarrier.arrive $0xFFFF;
	s2 =	simm.s32 @!p0 $0x1C03  }
0x45: {  	[timem:s3], [sflag:s2] =	dma.local @!p0 [hbm:s0], s1  }
0x46: {  	s0 =	simm.s32 @!p0 $0x3  }
0x47: {  	_ =	swait.ge @!p0 [sflag:s0], s1  }
0x48: {  	s1 =	ssub.s32 @!p0 $0x0, s1;
	[sflag:s0] =	ssyncset.done @!p0 $0x0  }
0x49: {  	[sflag:s0] =	ssyncadd.s32 @!p0 s1  }
0x4a: {  	[bflag:$0x3] =	sbarrier.arrive $0xFFFF  }
0x4b: {  	_ =	shalt  }

</sc_bundles>
